<compile_context>
chip_gen: v7x
topology: tpu7x:2x2x1
jax: 0.10.2.dev20260603
libtpu: 0.0.44.dev20260713+nightly
codegen_flags: <defaults>
</compile_context>

<pallas_src>
import functools

import jax
import jax.numpy as jnp
from jax import lax
from jax.experimental import pallas as pl
from jax.experimental.pallas import tpu as pltpu
from jax.experimental.pallas import tpu_sc as plsc

_E = 8
_NEG = -3.0e38
_NW = 32
_L = 16


def _proj_body(x_ref, w_ref, b_ref, o_ref):
    xb = x_ref[...]
    m = jnp.dot(xb, w_ref[...], preferred_element_type=jnp.float32)
    m = m + b_ref[...]
    o_ref[...] = m.T


def _tc_project(x2, W, b, N, D):
    BT = 4096
    return pl.pallas_call(
        _proj_body,
        grid=(N // BT,),
        in_specs=[
            pl.BlockSpec((BT, D), lambda i: (i, 0)),
            pl.BlockSpec((D, 2 * _E), lambda i: (0, 0)),
            pl.BlockSpec((1, 2 * _E), lambda i: (0, 0)),
        ],
        out_specs=pl.BlockSpec((2 * _E, BT), lambda i: (0, i)),
        out_shape=jax.ShapeDtypeStruct((2 * _E, N), jnp.float32),
    )(x2, W, b)


def _make_sc_route(N):
    chunk = N // _NW
    mesh = plsc.VectorSubcoreMesh(core_axis_name="c", subcore_axis_name="s")

    @functools.partial(
        pl.kernel,
        mesh=mesh,
        out_type=jax.ShapeDtypeStruct((N,), jnp.float32),
        scratch_types=[
            pltpu.VMEM((2 * _E, chunk), jnp.float32),
            pltpu.VMEM((chunk,), jnp.float32),
        ],
    )
    def _route(mt_hbm, out_hbm, buf, obuf):
        wid = lax.axis_index("s") * 2 + lax.axis_index("c")
        base = wid * chunk
        pltpu.sync_copy(mt_hbm.at[:, pl.ds(base, chunk)], buf)

        def body(g, carry):
            sl = pl.ds(g * _L, _L)
            l = [buf[e, sl] for e in range(_E)]
            z = [buf[_E + e, sl] for e in range(_E)]
            one = jnp.ones((_L,), jnp.float32)
            zero = jnp.zeros((_L,), jnp.float32)
            m1 = l[0]
            for e in range(1, _E):
                m1 = jnp.maximum(m1, l[e])
            eq = [jnp.where(l[e] == m1, one, zero) for e in range(_E)]
            seen = eq[0]
            fo = [eq[0]]
            for e in range(1, _E):
                fo.append(eq[e] * (one - seen))
                seen = jnp.maximum(seen, eq[e])
            l2 = [l[e] + fo[e] * _NEG for e in range(_E)]
            m2 = l2[0]
            for e in range(1, _E):
                m2 = jnp.maximum(m2, l2[e])
            eq2 = [jnp.where(l2[e] == m2, one, zero) for e in range(_E)]
            seen2 = eq2[0]
            fo2 = [eq2[0]]
            for e in range(1, _E):
                fo2.append(eq2[e] * (one - seen2))
                seen2 = jnp.maximum(seen2, eq2[e])
            num = zero
            den = zero
            for e in range(_E):
                sel = fo[e] + fo2[e]
                ex = sel * jnp.exp(l[e] - m1)
                sig = 1.0 / (1.0 + jnp.exp(-z[e]))
                num = num + ex * sig
                den = den + ex
            obuf[sl] = num / den
            return carry

        lax.fori_loop(0, chunk // _L, body, 0)
        pltpu.sync_copy(obuf, out_hbm.at[pl.ds(base, chunk)])

    return _route


@jax.jit
def kernel(x, Wc, bc, We, be):
    B, S, D = x.shape
    N = B * S
    x2 = x.reshape(N, D)
    W = jnp.concatenate([Wc, We.T], axis=1)
    b = jnp.concatenate([bc, be]).reshape(1, 2 * _E)

    C = 2
    NC = N // C
    route = _make_sc_route(NC)
    outs = []
    for c in range(C):
        mt_c = _tc_project(x2[c * NC:(c + 1) * NC], W, b, NC, D)
        outs.append(route(mt_c))
    out = jnp.concatenate(outs)
    return out.reshape(B, S, 1)

# --- scband reference (transcript-rebuilt; emitter-appended) ---
"""Pipeline reference for scband-tgate-topk-55679956025633 (READ-ONLY COPY).

The authoritative reference and input builder live on the scoring server;
editing this copy changes nothing except your own understanding.
"""

import jax, jax.numpy as jnp
import numpy as np

B, S, D, E, K = 4, 8192, 768, 8, 2

def setup_inputs(seed: int = 0) -> dict:
    key = jax.random.key(seed)
    ks = jax.random.split(key, 5)
    x = jax.random.normal(ks[0], (B, S, D), dtype=jnp.float32)
    Wc = jax.random.normal(ks[1], (D, E), dtype=jnp.float32) * 0.02
    bc = jnp.zeros((E,), dtype=jnp.float32)
    # experts: each is Linear(D,1)+Sigmoid; pack weights as [E, D], biases as [E]
    We = jax.random.normal(ks[2], (E, D), dtype=jnp.float32) * 0.02
    be = jnp.zeros((E,), dtype=jnp.float32)
    return {"x": x, "Wc": Wc, "bc": bc, "We": We, "be": be}

def reference(x, Wc, bc, We, be):
    # router logits
    logits = jnp.einsum('bsd,de->bse', x, Wc) + bc            # [B,S,E]
    top_k_logits, top_k_indices = jax.lax.top_k(logits, K)    # [B,S,K]
    top_k_gates = jax.nn.softmax(top_k_logits, axis=-1)       # [B,S,K]
    # scatter softmaxed gates back into dense [B,S,E] (torch scatter_ equivalent)
    gates = jnp.sum(jax.nn.one_hot(top_k_indices, E, dtype=logits.dtype) * top_k_gates[..., None], axis=-2)  # [B,S,E]
    # expert outputs: each expert maps [B,S,D] -> [B,S,1]; stacked along last dim -> [B,S,1,E]
    expert_outputs = jax.nn.sigmoid(jnp.einsum('bsd,ed->bse', x, We) + be)  # [B,S,E]
    # torch: sum(expert_outputs[B,S,1,E] * gates[B,S,1,E], dim=-1) -> [B,S,1]
    out = jnp.sum(expert_outputs * gates, axis=-1, keepdims=True)           # [B,S,1]
    return out

if __name__ == "__main__":
    import jax
    _d = setup_inputs()
    print(jax.jit(kernel)(*tuple(_d.values())))

</pallas_src>

<mosaic_0001>
#map = affine_map<(d0, d1) -> (0, 0)>
#map1 = affine_map<(d0, d1) -> (0)>
module attributes {stable_mosaic.version = 14 : i64} {
  func.func @_route(%arg0: i32, %arg1: i32, %arg2: memref<16x16384xf32, #tpu.memory_space<hbm>>, %arg3: memref<16384xf32, #tpu.memory_space<hbm>>, %arg4: memref<16x512xf32, #tpu.memory_space<vmem>>, %arg5: memref<512xf32, #tpu.memory_space<vmem>>) attributes {dimension_semantics = [#tpu.dimension_semantics<core_parallel>, #tpu.dimension_semantics<subcore_parallel>], iteration_bounds = array<i64: 2, 16>, scalar_prefetch = 0 : i64, scratch_operands = 2 : i64, tpu.core_type = #tpu.core_type<sc_vector_subcore>, window_params = [{transform_indices = #map}, {transform_indices = #map1}]} {
    %mul3A = arith.constant 2 : i32
    %mul3A_0 = arith.muli %arg1, %mul3A : i32
    %add3A = arith.addi %mul3A_0, %arg0 : i32
    %mul3A_1 = arith.constant 512 : i32
    %mul3A_2 = arith.muli %add3A, %mul3A_1 : i32
    "tpu.region"() ({
      %run_scoped3A = tpu.sem_alloc : memref<!tpu.dma_semaphore, #tpu.memory_space<semaphore_mem>>
      %dma_start3A = arith.constant 0 : i32
      %dma_start3A_8 = tpu.memref_slice %arg2[%dma_start3A, %mul3A_2] : memref<16x16384xf32, #tpu.memory_space<hbm>> -> memref<16x512xf32, #tpu.memory_space<hbm>>
      %dma_start3A_9 = arith.constant 0 : i32
      %dma_start3A_10 = tpu.memref_slice %arg2[%dma_start3A_9, %mul3A_2] : memref<16x16384xf32, #tpu.memory_space<hbm>> -> memref<16x512xf32, #tpu.memory_space<hbm>>
      tpu.enqueue_dma source(%dma_start3A_10 : memref<16x512xf32, #tpu.memory_space<hbm>>) target(%arg4 : memref<16x512xf32, #tpu.memory_space<vmem>>) target_semaphore(%run_scoped3A : memref<!tpu.dma_semaphore, #tpu.memory_space<semaphore_mem>>)
      %dma_wait3A = arith.constant 0 : i32
      %dma_wait3A_11 = tpu.memref_slice %arg2[%dma_wait3A, %mul3A_2] : memref<16x16384xf32, #tpu.memory_space<hbm>> -> memref<16x512xf32, #tpu.memory_space<hbm>>
      %dma_wait3A_12 = arith.constant 0 : i32
      %dma_wait3A_13 = tpu.memref_slice %arg2[%dma_wait3A_12, %mul3A_2] : memref<16x16384xf32, #tpu.memory_space<hbm>> -> memref<16x512xf32, #tpu.memory_space<hbm>>
      tpu.wait_dma2 semaphore(%run_scoped3A : memref<!tpu.dma_semaphore, #tpu.memory_space<semaphore_mem>>) src(%dma_wait3A_13 : memref<16x512xf32, #tpu.memory_space<hbm>>) dst(%arg4 : memref<16x512xf32, #tpu.memory_space<vmem>>)
      tpu.yield
    }) : () -> ()
    %scan3A = arith.constant 0 : i32
    %scan3A_3 = arith.constant 0 : i32
    %scan3A_4 = arith.constant 32 : i32
    %scan3A_5 = arith.addi %scan3A_3, %scan3A_4 : i32
    %scan3A_6 = arith.constant 1 : i32
    scf.for %scan3A_8 = %scan3A_3 to %scan3A_5 step %scan3A_6  : i32 {
      %mul3A_9 = arith.constant 16 : i32
      %mul3A_10 = arith.muli %scan3A_8, %mul3A_9 : i32
      %get3A = arith.constant 0 : i32
      %get3A_11 = arith.index_cast %get3A : i32 to index
      %get3A_12 = arith.index_cast %mul3A_10 : i32 to index
      %get3A_13 = tpu.vector_load %arg4[%get3A_11, %get3A_12] {strides = array<i32>} : memref<16x512xf32, #tpu.memory_space<vmem>>, vector<1x16xf32>,
      %get3A_14 = vector.shape_cast %get3A_13 : vector<1x16xf32> to vector<16xf32>
      %get3A_15 = arith.constant 1 : i32
      %get3A_16 = arith.index_cast %get3A_15 : i32 to index
      %get3A_17 = arith.index_cast %mul3A_10 : i32 to index
      %get3A_18 = tpu.vector_load %arg4[%get3A_16, %get3A_17] {strides = array<i32>} : memref<16x512xf32, #tpu.memory_space<vmem>>, vector<1x16xf32>,
      %get3A_19 = vector.shape_cast %get3A_18 : vector<1x16xf32> to vector<16xf32>
      %get3A_20 = arith.constant 2 : i32
      %get3A_21 = arith.index_cast %get3A_20 : i32 to index
      %get3A_22 = arith.index_cast %mul3A_10 : i32 to index
      %get3A_23 = tpu.vector_load %arg4[%get3A_21, %get3A_22] {strides = array<i32>} : memref<16x512xf32, #tpu.memory_space<vmem>>, vector<1x16xf32>,
      %get3A_24 = vector.shape_cast %get3A_23 : vector<1x16xf32> to vector<16xf32>
      %get3A_25 = arith.constant 3 : i32
      %get3A_26 = arith.index_cast %get3A_25 : i32 to index
      %get3A_27 = arith.index_cast %mul3A_10 : i32 to index
      %get3A_28 = tpu.vector_load %arg4[%get3A_26, %get3A_27] {strides = array<i32>} : memref<16x512xf32, #tpu.memory_space<vmem>>, vector<1x16xf32>,
      %get3A_29 = vector.shape_cast %get3A_28 : vector<1x16xf32> to vector<16xf32>
      %get3A_30 = arith.constant 4 : i32
      %get3A_31 = arith.index_cast %get3A_30 : i32 to index
      %get3A_32 = arith.index_cast %mul3A_10 : i32 to index
      %get3A_33 = tpu.vector_load %arg4[%get3A_31, %get3A_32] {strides = array<i32>} : memref<16x512xf32, #tpu.memory_space<vmem>>, vector<1x16xf32>,
      %get3A_34 = vector.shape_cast %get3A_33 : vector<1x16xf32> to vector<16xf32>
      %get3A_35 = arith.constant 5 : i32
      %get3A_36 = arith.index_cast %get3A_35 : i32 to index
      %get3A_37 = arith.index_cast %mul3A_10 : i32 to index
      %get3A_38 = tpu.vector_load %arg4[%get3A_36, %get3A_37] {strides = array<i32>} : memref<16x512xf32, #tpu.memory_space<vmem>>, vector<1x16xf32>,
      %get3A_39 = vector.shape_cast %get3A_38 : vector<1x16xf32> to vector<16xf32>
      %get3A_40 = arith.constant 6 : i32
      %get3A_41 = arith.index_cast %get3A_40 : i32 to index
      %get3A_42 = arith.index_cast %mul3A_10 : i32 to index
      %get3A_43 = tpu.vector_load %arg4[%get3A_41, %get3A_42] {strides = array<i32>} : memref<16x512xf32, #tpu.memory_space<vmem>>, vector<1x16xf32>,
      %get3A_44 = vector.shape_cast %get3A_43 : vector<1x16xf32> to vector<16xf32>
      %get3A_45 = arith.constant 7 : i32
      %get3A_46 = arith.index_cast %get3A_45 : i32 to index
      %get3A_47 = arith.index_cast %mul3A_10 : i32 to index
      %get3A_48 = tpu.vector_load %arg4[%get3A_46, %get3A_47] {strides = array<i32>} : memref<16x512xf32, #tpu.memory_space<vmem>>, vector<1x16xf32>,
      %get3A_49 = vector.shape_cast %get3A_48 : vector<1x16xf32> to vector<16xf32>
      %get3A_50 = arith.constant 8 : i32
      %get3A_51 = arith.index_cast %get3A_50 : i32 to index
      %get3A_52 = arith.index_cast %mul3A_10 : i32 to index
      %get3A_53 = tpu.vector_load %arg4[%get3A_51, %get3A_52] {strides = array<i32>} : memref<16x512xf32, #tpu.memory_space<vmem>>, vector<1x16xf32>,
      %get3A_54 = vector.shape_cast %get3A_53 : vector<1x16xf32> to vector<16xf32>
      %get3A_55 = arith.constant 9 : i32
      %get3A_56 = arith.index_cast %get3A_55 : i32 to index
      %get3A_57 = arith.index_cast %mul3A_10 : i32 to index
      %get3A_58 = tpu.vector_load %arg4[%get3A_56, %get3A_57] {strides = array<i32>} : memref<16x512xf32, #tpu.memory_space<vmem>>, vector<1x16xf32>,
      %get3A_59 = vector.shape_cast %get3A_58 : vector<1x16xf32> to vector<16xf32>
      %get3A_60 = arith.constant 10 : i32
      %get3A_61 = arith.index_cast %get3A_60 : i32 to index
      %get3A_62 = arith.index_cast %mul3A_10 : i32 to index
      %get3A_63 = tpu.vector_load %arg4[%get3A_61, %get3A_62] {strides = array<i32>} : memref<16x512xf32, #tpu.memory_space<vmem>>, vector<1x16xf32>,
      %get3A_64 = vector.shape_cast %get3A_63 : vector<1x16xf32> to vector<16xf32>
      %get3A_65 = arith.constant 11 : i32
      %get3A_66 = arith.index_cast %get3A_65 : i32 to index
      %get3A_67 = arith.index_cast %mul3A_10 : i32 to index
      %get3A_68 = tpu.vector_load %arg4[%get3A_66, %get3A_67] {strides = array<i32>} : memref<16x512xf32, #tpu.memory_space<vmem>>, vector<1x16xf32>,
      %get3A_69 = vector.shape_cast %get3A_68 : vector<1x16xf32> to vector<16xf32>
      %get3A_70 = arith.constant 12 : i32
      %get3A_71 = arith.index_cast %get3A_70 : i32 to index
      %get3A_72 = arith.index_cast %mul3A_10 : i32 to index
      %get3A_73 = tpu.vector_load %arg4[%get3A_71, %get3A_72] {strides = array<i32>} : memref<16x512xf32, #tpu.memory_space<vmem>>, vector<1x16xf32>,
      %get3A_74 = vector.shape_cast %get3A_73 : vector<1x16xf32> to vector<16xf32>
      %get3A_75 = arith.constant 13 : i32
      %get3A_76 = arith.index_cast %get3A_75 : i32 to index
      %get3A_77 = arith.index_cast %mul3A_10 : i32 to index
      %get3A_78 = tpu.vector_load %arg4[%get3A_76, %get3A_77] {strides = array<i32>} : memref<16x512xf32, #tpu.memory_space<vmem>>, vector<1x16xf32>,
      %get3A_79 = vector.shape_cast %get3A_78 : vector<1x16xf32> to vector<16xf32>
      %get3A_80 = arith.constant 14 : i32
      %get3A_81 = arith.index_cast %get3A_80 : i32 to index
      %get3A_82 = arith.index_cast %mul3A_10 : i32 to index
      %get3A_83 = tpu.vector_load %arg4[%get3A_81, %get3A_82] {strides = array<i32>} : memref<16x512xf32, #tpu.memory_space<vmem>>, vector<1x16xf32>,
      %get3A_84 = vector.shape_cast %get3A_83 : vector<1x16xf32> to vector<16xf32>
      %get3A_85 = arith.constant 15 : i32
      %get3A_86 = arith.index_cast %get3A_85 : i32 to index
      %get3A_87 = arith.index_cast %mul3A_10 : i32 to index
      %get3A_88 = tpu.vector_load %arg4[%get3A_86, %get3A_87] {strides = array<i32>} : memref<16x512xf32, #tpu.memory_space<vmem>>, vector<1x16xf32>,
      %get3A_89 = vector.shape_cast %get3A_88 : vector<1x16xf32> to vector<16xf32>
      %broadcast_in_dim3A = arith.constant 1.000000e+00 : f32
      %broadcast_in_dim3A_90 = vector.broadcast %broadcast_in_dim3A : f32 to vector<16xf32>
      %broadcast_in_dim3A_91 = arith.constant 0.000000e+00 : f32
      %broadcast_in_dim3A_92 = vector.broadcast %broadcast_in_dim3A_91 : f32 to vector<16xf32>
      %max3A = arith.maximumf %get3A_14, %get3A_19 : vector<16xf32>
      %max3A_93 = arith.maximumf %max3A, %get3A_24 : vector<16xf32>
      %max3A_94 = arith.maximumf %max3A_93, %get3A_29 : vector<16xf32>
      %max3A_95 = arith.maximumf %max3A_94, %get3A_34 : vector<16xf32>
      %max3A_96 = arith.maximumf %max3A_95, %get3A_39 : vector<16xf32>
      %max3A_97 = arith.maximumf %max3A_96, %get3A_44 : vector<16xf32>
      %max3A_98 = arith.maximumf %max3A_97, %get3A_49 : vector<16xf32>
      %eq3A = arith.cmpf oeq, %get3A_14, %max3A_98 : vector<16xf32>
      %select_n3A = arith.select %eq3A, %broadcast_in_dim3A_90, %broadcast_in_dim3A_92 : vector<16xi1>, vector<16xf32>
      %eq3A_99 = arith.cmpf oeq, %get3A_19, %max3A_98 : vector<16xf32>
      %select_n3A_100 = arith.select %eq3A_99, %broadcast_in_dim3A_90, %broadcast_in_dim3A_92 : vector<16xi1>, vector<16xf32>
      %eq3A_101 = arith.cmpf oeq, %get3A_24, %max3A_98 : vector<16xf32>
      %select_n3A_102 = arith.select %eq3A_101, %broadcast_in_dim3A_90, %broadcast_in_dim3A_92 : vector<16xi1>, vector<16xf32>
      %eq3A_103 = arith.cmpf oeq, %get3A_29, %max3A_98 : vector<16xf32>
      %select_n3A_104 = arith.select %eq3A_103, %broadcast_in_dim3A_90, %broadcast_in_dim3A_92 : vector<16xi1>, vector<16xf32>
      %eq3A_105 = arith.cmpf oeq, %get3A_34, %max3A_98 : vector<16xf32>
      %select_n3A_106 = arith.select %eq3A_105, %broadcast_in_dim3A_90, %broadcast_in_dim3A_92 : vector<16xi1>, vector<16xf32>
      %eq3A_107 = arith.cmpf oeq, %get3A_39, %max3A_98 : vector<16xf32>
      %select_n3A_108 = arith.select %eq3A_107, %broadcast_in_dim3A_90, %broadcast_in_dim3A_92 : vector<16xi1>, vector<16xf32>
      %eq3A_109 = arith.cmpf oeq, %get3A_44, %max3A_98 : vector<16xf32>
      %select_n3A_110 = arith.select %eq3A_109, %broadcast_in_dim3A_90, %broadcast_in_dim3A_92 : vector<16xi1>, vector<16xf32>
      %eq3A_111 = arith.cmpf oeq, %get3A_49, %max3A_98 : vector<16xf32>
      %select_n3A_112 = arith.select %eq3A_111, %broadcast_in_dim3A_90, %broadcast_in_dim3A_92 : vector<16xi1>, vector<16xf32>
      %sub3A = arith.subf %broadcast_in_dim3A_90, %select_n3A : vector<16xf32>
      %mul3A_113 = arith.mulf %select_n3A_100, %sub3A : vector<16xf32>
      %max3A_114 = arith.maximumf %select_n3A, %select_n3A_100 : vector<16xf32>
      %sub3A_115 = arith.subf %broadcast_in_dim3A_90, %max3A_114 : vector<16xf32>
      %mul3A_116 = arith.mulf %select_n3A_102, %sub3A_115 : vector<16xf32>
      %max3A_117 = arith.maximumf %max3A_114, %select_n3A_102 : vector<16xf32>
      %sub3A_118 = arith.subf %broadcast_in_dim3A_90, %max3A_117 : vector<16xf32>
      %mul3A_119 = arith.mulf %select_n3A_104, %sub3A_118 : vector<16xf32>
      %max3A_120 = arith.maximumf %max3A_117, %select_n3A_104 : vector<16xf32>
      %sub3A_121 = arith.subf %broadcast_in_dim3A_90, %max3A_120 : vector<16xf32>
      %mul3A_122 = arith.mulf %select_n3A_106, %sub3A_121 : vector<16xf32>
      %max3A_123 = arith.maximumf %max3A_120, %select_n3A_106 : vector<16xf32>
      %sub3A_124 = arith.subf %broadcast_in_dim3A_90, %max3A_123 : vector<16xf32>
      %mul3A_125 = arith.mulf %select_n3A_108, %sub3A_124 : vector<16xf32>
      %max3A_126 = arith.maximumf %max3A_123, %select_n3A_108 : vector<16xf32>
      %sub3A_127 = arith.subf %broadcast_in_dim3A_90, %max3A_126 : vector<16xf32>
      %mul3A_128 = arith.mulf %select_n3A_110, %sub3A_127 : vector<16xf32>
      %max3A_129 = arith.maximumf %max3A_126, %select_n3A_110 : vector<16xf32>
      %sub3A_130 = arith.subf %broadcast_in_dim3A_90, %max3A_129 : vector<16xf32>
      %mul3A_131 = arith.mulf %select_n3A_112, %sub3A_130 : vector<16xf32>
      %max3A_132 = arith.maximumf %max3A_129, %select_n3A_112 : vector<16xf32>
      %mul3A_133 = arith.constant -3.000000e+38 : f32
      %mul3A_134 = vector.broadcast %mul3A_133 : f32 to vector<16xf32>
      %mul3A_135 = arith.mulf %select_n3A, %mul3A_134 : vector<16xf32>
      %add3A_136 = arith.addf %get3A_14, %mul3A_135 : vector<16xf32>
      %mul3A_137 = arith.constant -3.000000e+38 : f32
      %mul3A_138 = vector.broadcast %mul3A_137 : f32 to vector<16xf32>
      %mul3A_139 = arith.mulf %mul3A_113, %mul3A_138 : vector<16xf32>
      %add3A_140 = arith.addf %get3A_19, %mul3A_139 : vector<16xf32>
      %mul3A_141 = arith.constant -3.000000e+38 : f32
      %mul3A_142 = vector.broadcast %mul3A_141 : f32 to vector<16xf32>
      %mul3A_143 = arith.mulf %mul3A_116, %mul3A_142 : vector<16xf32>
      %add3A_144 = arith.addf %get3A_24, %mul3A_143 : vector<16xf32>
      %mul3A_145 = arith.constant -3.000000e+38 : f32
      %mul3A_146 = vector.broadcast %mul3A_145 : f32 to vector<16xf32>
      %mul3A_147 = arith.mulf %mul3A_119, %mul3A_146 : vector<16xf32>
      %add3A_148 = arith.addf %get3A_29, %mul3A_147 : vector<16xf32>
      %mul3A_149 = arith.constant -3.000000e+38 : f32
      %mul3A_150 = vector.broadcast %mul3A_149 : f32 to vector<16xf32>
      %mul3A_151 = arith.mulf %mul3A_122, %mul3A_150 : vector<16xf32>
      %add3A_152 = arith.addf %get3A_34, %mul3A_151 : vector<16xf32>
      %mul3A_153 = arith.constant -3.000000e+38 : f32
      %mul3A_154 = vector.broadcast %mul3A_153 : f32 to vector<16xf32>
      %mul3A_155 = arith.mulf %mul3A_125, %mul3A_154 : vector<16xf32>
      %add3A_156 = arith.addf %get3A_39, %mul3A_155 : vector<16xf32>
      %mul3A_157 = arith.constant -3.000000e+38 : f32
      %mul3A_158 = vector.broadcast %mul3A_157 : f32 to vector<16xf32>
      %mul3A_159 = arith.mulf %mul3A_128, %mul3A_158 : vector<16xf32>
      %add3A_160 = arith.addf %get3A_44, %mul3A_159 : vector<16xf32>
      %mul3A_161 = arith.constant -3.000000e+38 : f32
      %mul3A_162 = vector.broadcast %mul3A_161 : f32 to vector<16xf32>
      %mul3A_163 = arith.mulf %mul3A_131, %mul3A_162 : vector<16xf32>
      %add3A_164 = arith.addf %get3A_49, %mul3A_163 : vector<16xf32>
      %max3A_165 = arith.maximumf %add3A_136, %add3A_140 : vector<16xf32>
      %max3A_166 = arith.maximumf %max3A_165, %add3A_144 : vector<16xf32>
      %max3A_167 = arith.maximumf %max3A_166, %add3A_148 : vector<16xf32>
      %max3A_168 = arith.maximumf %max3A_167, %add3A_152 : vector<16xf32>
      %max3A_169 = arith.maximumf %max3A_168, %add3A_156 : vector<16xf32>
      %max3A_170 = arith.maximumf %max3A_169, %add3A_160 : vector<16xf32>
      %max3A_171 = arith.maximumf %max3A_170, %add3A_164 : vector<16xf32>
      %eq3A_172 = arith.cmpf oeq, %add3A_136, %max3A_171 : vector<16xf32>
      %select_n3A_173 = arith.select %eq3A_172, %broadcast_in_dim3A_90, %broadcast_in_dim3A_92 : vector<16xi1>, vector<16xf32>
      %eq3A_174 = arith.cmpf oeq, %add3A_140, %max3A_171 : vector<16xf32>
      %select_n3A_175 = arith.select %eq3A_174, %broadcast_in_dim3A_90, %broadcast_in_dim3A_92 : vector<16xi1>, vector<16xf32>
      %eq3A_176 = arith.cmpf oeq, %add3A_144, %max3A_171 : vector<16xf32>
      %select_n3A_177 = arith.select %eq3A_176, %broadcast_in_dim3A_90, %broadcast_in_dim3A_92 : vector<16xi1>, vector<16xf32>
      %eq3A_178 = arith.cmpf oeq, %add3A_148, %max3A_171 : vector<16xf32>
      %select_n3A_179 = arith.select %eq3A_178, %broadcast_in_dim3A_90, %broadcast_in_dim3A_92 : vector<16xi1>, vector<16xf32>
      %eq3A_180 = arith.cmpf oeq, %add3A_152, %max3A_171 : vector<16xf32>
      %select_n3A_181 = arith.select %eq3A_180, %broadcast_in_dim3A_90, %broadcast_in_dim3A_92 : vector<16xi1>, vector<16xf32>
      %eq3A_182 = arith.cmpf oeq, %add3A_156, %max3A_171 : vector<16xf32>
      %select_n3A_183 = arith.select %eq3A_182, %broadcast_in_dim3A_90, %broadcast_in_dim3A_92 : vector<16xi1>, vector<16xf32>
      %eq3A_184 = arith.cmpf oeq, %add3A_160, %max3A_171 : vector<16xf32>
      %select_n3A_185 = arith.select %eq3A_184, %broadcast_in_dim3A_90, %broadcast_in_dim3A_92 : vector<16xi1>, vector<16xf32>
      %eq3A_186 = arith.cmpf oeq, %add3A_164, %max3A_171 : vector<16xf32>
      %select_n3A_187 = arith.select %eq3A_186, %broadcast_in_dim3A_90, %broadcast_in_dim3A_92 : vector<16xi1>, vector<16xf32>
      %sub3A_188 = arith.subf %broadcast_in_dim3A_90, %select_n3A_173 : vector<16xf32>
      %mul3A_189 = arith.mulf %select_n3A_175, %sub3A_188 : vector<16xf32>
      %max3A_190 = arith.maximumf %select_n3A_173, %select_n3A_175 : vector<16xf32>
      %sub3A_191 = arith.subf %broadcast_in_dim3A_90, %max3A_190 : vector<16xf32>
      %mul3A_192 = arith.mulf %select_n3A_177, %sub3A_191 : vector<16xf32>
      %max3A_193 = arith.maximumf %max3A_190, %select_n3A_177 : vector<16xf32>
      %sub3A_194 = arith.subf %broadcast_in_dim3A_90, %max3A_193 : vector<16xf32>
      %mul3A_195 = arith.mulf %select_n3A_179, %sub3A_194 : vector<16xf32>
      %max3A_196 = arith.maximumf %max3A_193, %select_n3A_179 : vector<16xf32>
      %sub3A_197 = arith.subf %broadcast_in_dim3A_90, %max3A_196 : vector<16xf32>
      %mul3A_198 = arith.mulf %select_n3A_181, %sub3A_197 : vector<16xf32>
      %max3A_199 = arith.maximumf %max3A_196, %select_n3A_181 : vector<16xf32>
      %sub3A_200 = arith.subf %broadcast_in_dim3A_90, %max3A_199 : vector<16xf32>
      %mul3A_201 = arith.mulf %select_n3A_183, %sub3A_200 : vector<16xf32>
      %max3A_202 = arith.maximumf %max3A_199, %select_n3A_183 : vector<16xf32>
      %sub3A_203 = arith.subf %broadcast_in_dim3A_90, %max3A_202 : vector<16xf32>
      %mul3A_204 = arith.mulf %select_n3A_185, %sub3A_203 : vector<16xf32>
      %max3A_205 = arith.maximumf %max3A_202, %select_n3A_185 : vector<16xf32>
      %sub3A_206 = arith.subf %broadcast_in_dim3A_90, %max3A_205 : vector<16xf32>
      %mul3A_207 = arith.mulf %select_n3A_187, %sub3A_206 : vector<16xf32>
      %max3A_208 = arith.maximumf %max3A_205, %select_n3A_187 : vector<16xf32>
      %add3A_209 = arith.addf %select_n3A, %select_n3A_173 : vector<16xf32>
      %sub3A_210 = arith.subf %get3A_14, %max3A_98 : vector<16xf32>
      %exp3A = math.exp %sub3A_210 : vector<16xf32>
      %mul3A_211 = arith.mulf %add3A_209, %exp3A : vector<16xf32>
      %neg3A = arith.constant 0.000000e+00 : f32
      %neg3A_212 = vector.broadcast %neg3A : f32 to vector<16xf32>
      %neg3A_213 = arith.subf %neg3A_212, %get3A_54 : vector<16xf32>
      %exp3A_214 = math.exp %neg3A_213 : vector<16xf32>
      %add3A_215 = arith.constant 1.000000e+00 : f32
      %add3A_216 = vector.broadcast %add3A_215 : f32 to vector<16xf32>
      %add3A_217 = arith.addf %add3A_216, %exp3A_214 : vector<16xf32>
      %div3A = arith.constant 1.000000e+00 : f32
      %div3A_218 = vector.broadcast %div3A : f32 to vector<16xf32>
      %div3A_219 = arith.divf %div3A_218, %add3A_217 : vector<16xf32>
      %mul3A_220 = arith.mulf %mul3A_211, %div3A_219 : vector<16xf32>
      %add3A_221 = arith.addf %broadcast_in_dim3A_92, %mul3A_220 : vector<16xf32>
      %add3A_222 = arith.addf %broadcast_in_dim3A_92, %mul3A_211 : vector<16xf32>
      %add3A_223 = arith.addf %mul3A_113, %mul3A_189 : vector<16xf32>
      %sub3A_224 = arith.subf %get3A_19, %max3A_98 : vector<16xf32>
      %exp3A_225 = math.exp %sub3A_224 : vector<16xf32>
      %mul3A_226 = arith.mulf %add3A_223, %exp3A_225 : vector<16xf32>
      %neg3A_227 = arith.constant 0.000000e+00 : f32
      %neg3A_228 = vector.broadcast %neg3A_227 : f32 to vector<16xf32>
      %neg3A_229 = arith.subf %neg3A_228, %get3A_59 : vector<16xf32>
      %exp3A_230 = math.exp %neg3A_229 : vector<16xf32>
      %add3A_231 = arith.constant 1.000000e+00 : f32
      %add3A_232 = vector.broadcast %add3A_231 : f32 to vector<16xf32>
      %add3A_233 = arith.addf %add3A_232, %exp3A_230 : vector<16xf32>
      %div3A_234 = arith.constant 1.000000e+00 : f32
      %div3A_235 = vector.broadcast %div3A_234 : f32 to vector<16xf32>
      %div3A_236 = arith.divf %div3A_235, %add3A_233 : vector<16xf32>
      %mul3A_237 = arith.mulf %mul3A_226, %div3A_236 : vector<16xf32>
      %add3A_238 = arith.addf %add3A_221, %mul3A_237 : vector<16xf32>
      %add3A_239 = arith.addf %add3A_222, %mul3A_226 : vector<16xf32>
      %add3A_240 = arith.addf %mul3A_116, %mul3A_192 : vector<16xf32>
      %sub3A_241 = arith.subf %get3A_24, %max3A_98 : vector<16xf32>
      %exp3A_242 = math.exp %sub3A_241 : vector<16xf32>
      %mul3A_243 = arith.mulf %add3A_240, %exp3A_242 : vector<16xf32>
      %neg3A_244 = arith.constant 0.000000e+00 : f32
      %neg3A_245 = vector.broadcast %neg3A_244 : f32 to vector<16xf32>
      %neg3A_246 = arith.subf %neg3A_245, %get3A_64 : vector<16xf32>
      %exp3A_247 = math.exp %neg3A_246 : vector<16xf32>
      %add3A_248 = arith.constant 1.000000e+00 : f32
      %add3A_249 = vector.broadcast %add3A_248 : f32 to vector<16xf32>
      %add3A_250 = arith.addf %add3A_249, %exp3A_247 : vector<16xf32>
      %div3A_251 = arith.constant 1.000000e+00 : f32
      %div3A_252 = vector.broadcast %div3A_251 : f32 to vector<16xf32>
      %div3A_253 = arith.divf %div3A_252, %add3A_250 : vector<16xf32>
      %mul3A_254 = arith.mulf %mul3A_243, %div3A_253 : vector<16xf32>
      %add3A_255 = arith.addf %add3A_238, %mul3A_254 : vector<16xf32>
      %add3A_256 = arith.addf %add3A_239, %mul3A_243 : vector<16xf32>
      %add3A_257 = arith.addf %mul3A_119, %mul3A_195 : vector<16xf32>
      %sub3A_258 = arith.subf %get3A_29, %max3A_98 : vector<16xf32>
      %exp3A_259 = math.exp %sub3A_258 : vector<16xf32>
      %mul3A_260 = arith.mulf %add3A_257, %exp3A_259 : vector<16xf32>
      %neg3A_261 = arith.constant 0.000000e+00 : f32
      %neg3A_262 = vector.broadcast %neg3A_261 : f32 to vector<16xf32>
      %neg3A_263 = arith.subf %neg3A_262, %get3A_69 : vector<16xf32>
      %exp3A_264 = math.exp %neg3A_263 : vector<16xf32>
      %add3A_265 = arith.constant 1.000000e+00 : f32
      %add3A_266 = vector.broadcast %add3A_265 : f32 to vector<16xf32>
      %add3A_267 = arith.addf %add3A_266, %exp3A_264 : vector<16xf32>
      %div3A_268 = arith.constant 1.000000e+00 : f32
      %div3A_269 = vector.broadcast %div3A_268 : f32 to vector<16xf32>
      %div3A_270 = arith.divf %div3A_269, %add3A_267 : vector<16xf32>
      %mul3A_271 = arith.mulf %mul3A_260, %div3A_270 : vector<16xf32>
      %add3A_272 = arith.addf %add3A_255, %mul3A_271 : vector<16xf32>
      %add3A_273 = arith.addf %add3A_256, %mul3A_260 : vector<16xf32>
      %add3A_274 = arith.addf %mul3A_122, %mul3A_198 : vector<16xf32>
      %sub3A_275 = arith.subf %get3A_34, %max3A_98 : vector<16xf32>
      %exp3A_276 = math.exp %sub3A_275 : vector<16xf32>
      %mul3A_277 = arith.mulf %add3A_274, %exp3A_276 : vector<16xf32>
      %neg3A_278 = arith.constant 0.000000e+00 : f32
      %neg3A_279 = vector.broadcast %neg3A_278 : f32 to vector<16xf32>
      %neg3A_280 = arith.subf %neg3A_279, %get3A_74 : vector<16xf32>
      %exp3A_281 = math.exp %neg3A_280 : vector<16xf32>
      %add3A_282 = arith.constant 1.000000e+00 : f32
      %add3A_283 = vector.broadcast %add3A_282 : f32 to vector<16xf32>
      %add3A_284 = arith.addf %add3A_283, %exp3A_281 : vector<16xf32>
      %div3A_285 = arith.constant 1.000000e+00 : f32
      %div3A_286 = vector.broadcast %div3A_285 : f32 to vector<16xf32>
      %div3A_287 = arith.divf %div3A_286, %add3A_284 : vector<16xf32>
      %mul3A_288 = arith.mulf %mul3A_277, %div3A_287 : vector<16xf32>
      %add3A_289 = arith.addf %add3A_272, %mul3A_288 : vector<16xf32>
      %add3A_290 = arith.addf %add3A_273, %mul3A_277 : vector<16xf32>
      %add3A_291 = arith.addf %mul3A_125, %mul3A_201 : vector<16xf32>
      %sub3A_292 = arith.subf %get3A_39, %max3A_98 : vector<16xf32>
      %exp3A_293 = math.exp %sub3A_292 : vector<16xf32>
      %mul3A_294 = arith.mulf %add3A_291, %exp3A_293 : vector<16xf32>
      %neg3A_295 = arith.constant 0.000000e+00 : f32
      %neg3A_296 = vector.broadcast %neg3A_295 : f32 to vector<16xf32>
      %neg3A_297 = arith.subf %neg3A_296, %get3A_79 : vector<16xf32>
      %exp3A_298 = math.exp %neg3A_297 : vector<16xf32>
      %add3A_299 = arith.constant 1.000000e+00 : f32
      %add3A_300 = vector.broadcast %add3A_299 : f32 to vector<16xf32>
      %add3A_301 = arith.addf %add3A_300, %exp3A_298 : vector<16xf32>
      %div3A_302 = arith.constant 1.000000e+00 : f32
      %div3A_303 = vector.broadcast %div3A_302 : f32 to vector<16xf32>
      %div3A_304 = arith.divf %div3A_303, %add3A_301 : vector<16xf32>
      %mul3A_305 = arith.mulf %mul3A_294, %div3A_304 : vector<16xf32>
      %add3A_306 = arith.addf %add3A_289, %mul3A_305 : vector<16xf32>
      %add3A_307 = arith.addf %add3A_290, %mul3A_294 : vector<16xf32>
      %add3A_308 = arith.addf %mul3A_128, %mul3A_204 : vector<16xf32>
      %sub3A_309 = arith.subf %get3A_44, %max3A_98 : vector<16xf32>
      %exp3A_310 = math.exp %sub3A_309 : vector<16xf32>
      %mul3A_311 = arith.mulf %add3A_308, %exp3A_310 : vector<16xf32>
      %neg3A_312 = arith.constant 0.000000e+00 : f32
      %neg3A_313 = vector.broadcast %neg3A_312 : f32 to vector<16xf32>
      %neg3A_314 = arith.subf %neg3A_313, %get3A_84 : vector<16xf32>
      %exp3A_315 = math.exp %neg3A_314 : vector<16xf32>
      %add3A_316 = arith.constant 1.000000e+00 : f32
      %add3A_317 = vector.broadcast %add3A_316 : f32 to vector<16xf32>
      %add3A_318 = arith.addf %add3A_317, %exp3A_315 : vector<16xf32>
      %div3A_319 = arith.constant 1.000000e+00 : f32
      %div3A_320 = vector.broadcast %div3A_319 : f32 to vector<16xf32>
      %div3A_321 = arith.divf %div3A_320, %add3A_318 : vector<16xf32>
      %mul3A_322 = arith.mulf %mul3A_311, %div3A_321 : vector<16xf32>
      %add3A_323 = arith.addf %add3A_306, %mul3A_322 : vector<16xf32>
      %add3A_324 = arith.addf %add3A_307, %mul3A_311 : vector<16xf32>
      %add3A_325 = arith.addf %mul3A_131, %mul3A_207 : vector<16xf32>
      %sub3A_326 = arith.subf %get3A_49, %max3A_98 : vector<16xf32>
      %exp3A_327 = math.exp %sub3A_326 : vector<16xf32>
      %mul3A_328 = arith.mulf %add3A_325, %exp3A_327 : vector<16xf32>
      %neg3A_329 = arith.constant 0.000000e+00 : f32
      %neg3A_330 = vector.broadcast %neg3A_329 : f32 to vector<16xf32>
      %neg3A_331 = arith.subf %neg3A_330, %get3A_89 : vector<16xf32>
      %exp3A_332 = math.exp %neg3A_331 : vector<16xf32>
      %add3A_333 = arith.constant 1.000000e+00 : f32
      %add3A_334 = vector.broadcast %add3A_333 : f32 to vector<16xf32>
      %add3A_335 = arith.addf %add3A_334, %exp3A_332 : vector<16xf32>
      %div3A_336 = arith.constant 1.000000e+00 : f32
      %div3A_337 = vector.broadcast %div3A_336 : f32 to vector<16xf32>
      %div3A_338 = arith.divf %div3A_337, %add3A_335 : vector<16xf32>
      %mul3A_339 = arith.mulf %mul3A_328, %div3A_338 : vector<16xf32>
      %add3A_340 = arith.addf %add3A_323, %mul3A_339 : vector<16xf32>
      %add3A_341 = arith.addf %add3A_324, %mul3A_328 : vector<16xf32>
      %div3A_342 = arith.divf %add3A_340, %add3A_341 : vector<16xf32>
      %swap3A = arith.index_cast %mul3A_10 : i32 to index
      %swap3A_343 = tpu.vector_load %arg5[%swap3A] {strides = array<i32>} : memref<512xf32, #tpu.memory_space<vmem>>, vector<16xf32>,
      %swap3A_344 = vector.shape_cast %swap3A_343 : vector<16xf32> to vector<16xf32>
      %swap3A_345 = vector.shape_cast %div3A_342 : vector<16xf32> to vector<16xf32>
      tpu.vector_store %arg5[%swap3A], %swap3A_345 {strides = array<i32>} : memref<512xf32, #tpu.memory_space<vmem>>, vector<16xf32>,
    }
    %scan3A_7 = arith.constant 32 : i32
    "tpu.region"() ({
      %run_scoped3A = tpu.sem_alloc : memref<!tpu.dma_semaphore, #tpu.memory_space<semaphore_mem>>
      %dma_start3A = tpu.memref_slice %arg3[%mul3A_2] : memref<16384xf32, #tpu.memory_space<hbm>> -> memref<512xf32, #tpu.memory_space<hbm>>
      %dma_start3A_8 = tpu.memref_slice %arg3[%mul3A_2] : memref<16384xf32, #tpu.memory_space<hbm>> -> memref<512xf32, #tpu.memory_space<hbm>>
      tpu.enqueue_dma source(%arg5 : memref<512xf32, #tpu.memory_space<vmem>>) target(%dma_start3A_8 : memref<512xf32, #tpu.memory_space<hbm>>) target_semaphore(%run_scoped3A : memref<!tpu.dma_semaphore, #tpu.memory_space<semaphore_mem>>)
      %dma_wait3A = tpu.memref_slice %arg3[%mul3A_2] : memref<16384xf32, #tpu.memory_space<hbm>> -> memref<512xf32, #tpu.memory_space<hbm>>
      %dma_wait3A_9 = tpu.memref_slice %arg3[%mul3A_2] : memref<16384xf32, #tpu.memory_space<hbm>> -> memref<512xf32, #tpu.memory_space<hbm>>
      tpu.wait_dma2 semaphore(%run_scoped3A : memref<!tpu.dma_semaphore, #tpu.memory_space<semaphore_mem>>) src(%arg5 : memref<512xf32, #tpu.memory_space<vmem>>) dst(%dma_wait3A_9 : memref<512xf32, #tpu.memory_space<hbm>>)
      tpu.yield
    }) : () -> ()
    return
  }
}

#map = affine_map<(d0, d1) -> (0, 0)>
#map1 = affine_map<(d0, d1) -> (0)>
module attributes {stable_mosaic.version = 14 : i64} {
  func.func @_route(%arg0: i32, %arg1: i32, %arg2: memref<16x16384xf32, #tpu.memory_space<hbm>>, %arg3: memref<16384xf32, #tpu.memory_space<hbm>>, %arg4: memref<16x512xf32, #tpu.memory_space<vmem>>, %arg5: memref<512xf32, #tpu.memory_space<vmem>>) attributes {dimension_semantics = [#tpu.dimension_semantics<core_parallel>, #tpu.dimension_semantics<subcore_parallel>], iteration_bounds = array<i64: 2, 16>, scalar_prefetch = 0 : i64, scratch_operands = 2 : i64, tpu.core_type = #tpu.core_type<sc_vector_subcore>, window_params = [{transform_indices = #map}, {transform_indices = #map1}]} {
    %mul3A = arith.constant 2 : i32
    %mul3A_0 = arith.muli %arg1, %mul3A : i32
    %add3A = arith.addi %mul3A_0, %arg0 : i32
    %mul3A_1 = arith.constant 512 : i32
    %mul3A_2 = arith.muli %add3A, %mul3A_1 : i32
    "tpu.region"() ({
      %run_scoped3A = tpu.sem_alloc : memref<!tpu.dma_semaphore, #tpu.memory_space<semaphore_mem>>
      %dma_start3A = arith.constant 0 : i32
      %dma_start3A_8 = tpu.memref_slice %arg2[%dma_start3A, %mul3A_2] : memref<16x16384xf32, #tpu.memory_space<hbm>> -> memref<16x512xf32, #tpu.memory_space<hbm>>
      %dma_start3A_9 = arith.constant 0 : i32
      %dma_start3A_10 = tpu.memref_slice %arg2[%dma_start3A_9, %mul3A_2] : memref<16x16384xf32, #tpu.memory_space<hbm>> -> memref<16x512xf32, #tpu.memory_space<hbm>>
      tpu.enqueue_dma source(%dma_start3A_10 : memref<16x512xf32, #tpu.memory_space<hbm>>) target(%arg4 : memref<16x512xf32, #tpu.memory_space<vmem>>) target_semaphore(%run_scoped3A : memref<!tpu.dma_semaphore, #tpu.memory_space<semaphore_mem>>)
      %dma_wait3A = arith.constant 0 : i32
      %dma_wait3A_11 = tpu.memref_slice %arg2[%dma_wait3A, %mul3A_2] : memref<16x16384xf32, #tpu.memory_space<hbm>> -> memref<16x512xf32, #tpu.memory_space<hbm>>
      %dma_wait3A_12 = arith.constant 0 : i32
      %dma_wait3A_13 = tpu.memref_slice %arg2[%dma_wait3A_12, %mul3A_2] : memref<16x16384xf32, #tpu.memory_space<hbm>> -> memref<16x512xf32, #tpu.memory_space<hbm>>
      tpu.wait_dma2 semaphore(%run_scoped3A : memref<!tpu.dma_semaphore, #tpu.memory_space<semaphore_mem>>) src(%dma_wait3A_13 : memref<16x512xf32, #tpu.memory_space<hbm>>) dst(%arg4 : memref<16x512xf32, #tpu.memory_space<vmem>>)
      tpu.yield
    }) : () -> ()
    %scan3A = arith.constant 0 : i32
    %scan3A_3 = arith.constant 0 : i32
    %scan3A_4 = arith.constant 32 : i32
    %scan3A_5 = arith.addi %scan3A_3, %scan3A_4 : i32
    %scan3A_6 = arith.constant 1 : i32
    scf.for %scan3A_8 = %scan3A_3 to %scan3A_5 step %scan3A_6  : i32 {
      %mul3A_9 = arith.constant 16 : i32
      %mul3A_10 = arith.muli %scan3A_8, %mul3A_9 : i32
      %get3A = arith.constant 0 : i32
      %get3A_11 = arith.index_cast %get3A : i32 to index
      %get3A_12 = arith.index_cast %mul3A_10 : i32 to index
      %get3A_13 = tpu.vector_load %arg4[%get3A_11, %get3A_12] {strides = array<i32>} : memref<16x512xf32, #tpu.memory_space<vmem>>, vector<1x16xf32>,
      %get3A_14 = vector.shape_cast %get3A_13 : vector<1x16xf32> to vector<16xf32>
      %get3A_15 = arith.constant 1 : i32
      %get3A_16 = arith.index_cast %get3A_15 : i32 to index
      %get3A_17 = arith.index_cast %mul3A_10 : i32 to index
      %get3A_18 = tpu.vector_load %arg4[%get3A_16, %get3A_17] {strides = array<i32>} : memref<16x512xf32, #tpu.memory_space<vmem>>, vector<1x16xf32>,
      %get3A_19 = vector.shape_cast %get3A_18 : vector<1x16xf32> to vector<16xf32>
      %get3A_20 = arith.constant 2 : i32
      %get3A_21 = arith.index_cast %get3A_20 : i32 to index
      %get3A_22 = arith.index_cast %mul3A_10 : i32 to index
      %get3A_23 = tpu.vector_load %arg4[%get3A_21, %get3A_22] {strides = array<i32>} : memref<16x512xf32, #tpu.memory_space<vmem>>, vector<1x16xf32>,
      %get3A_24 = vector.shape_cast %get3A_23 : vector<1x16xf32> to vector<16xf32>
      %get3A_25 = arith.constant 3 : i32
      %get3A_26 = arith.index_cast %get3A_25 : i32 to index
      %get3A_27 = arith.index_cast %mul3A_10 : i32 to index
      %get3A_28 = tpu.vector_load %arg4[%get3A_26, %get3A_27] {strides = array<i32>} : memref<16x512xf32, #tpu.memory_space<vmem>>, vector<1x16xf32>,
      %get3A_29 = vector.shape_cast %get3A_28 : vector<1x16xf32> to vector<16xf32>
      %get3A_30 = arith.constant 4 : i32
      %get3A_31 = arith.index_cast %get3A_30 : i32 to index
      %get3A_32 = arith.index_cast %mul3A_10 : i32 to index
      %get3A_33 = tpu.vector_load %arg4[%get3A_31, %get3A_32] {strides = array<i32>} : memref<16x512xf32, #tpu.memory_space<vmem>>, vector<1x16xf32>,
      %get3A_34 = vector.shape_cast %get3A_33 : vector<1x16xf32> to vector<16xf32>
      %get3A_35 = arith.constant 5 : i32
      %get3A_36 = arith.index_cast %get3A_35 : i32 to index
      %get3A_37 = arith.index_cast %mul3A_10 : i32 to index
      %get3A_38 = tpu.vector_load %arg4[%get3A_36, %get3A_37] {strides = array<i32>} : memref<16x512xf32, #tpu.memory_space<vmem>>, vector<1x16xf32>,
      %get3A_39 = vector.shape_cast %get3A_38 : vector<1x16xf32> to vector<16xf32>
      %get3A_40 = arith.constant 6 : i32
      %get3A_41 = arith.index_cast %get3A_40 : i32 to index
      %get3A_42 = arith.index_cast %mul3A_10 : i32 to index
      %get3A_43 = tpu.vector_load %arg4[%get3A_41, %get3A_42] {strides = array<i32>} : memref<16x512xf32, #tpu.memory_space<vmem>>, vector<1x16xf32>,
      %get3A_44 = vector.shape_cast %get3A_43 : vector<1x16xf32> to vector<16xf32>
      %get3A_45 = arith.constant 7 : i32
      %get3A_46 = arith.index_cast %get3A_45 : i32 to index
      %get3A_47 = arith.index_cast %mul3A_10 : i32 to index
      %get3A_48 = tpu.vector_load %arg4[%get3A_46, %get3A_47] {strides = array<i32>} : memref<16x512xf32, #tpu.memory_space<vmem>>, vector<1x16xf32>,
      %get3A_49 = vector.shape_cast %get3A_48 : vector<1x16xf32> to vector<16xf32>
      %get3A_50 = arith.constant 8 : i32
      %get3A_51 = arith.index_cast %get3A_50 : i32 to index
      %get3A_52 = arith.index_cast %mul3A_10 : i32 to index
      %get3A_53 = tpu.vector_load %arg4[%get3A_51, %get3A_52] {strides = array<i32>} : memref<16x512xf32, #tpu.memory_space<vmem>>, vector<1x16xf32>,
      %get3A_54 = vector.shape_cast %get3A_53 : vector<1x16xf32> to vector<16xf32>
      %get3A_55 = arith.constant 9 : i32
      %get3A_56 = arith.index_cast %get3A_55 : i32 to index
      %get3A_57 = arith.index_cast %mul3A_10 : i32 to index
      %get3A_58 = tpu.vector_load %arg4[%get3A_56, %get3A_57] {strides = array<i32>} : memref<16x512xf32, #tpu.memory_space<vmem>>, vector<1x16xf32>,
      %get3A_59 = vector.shape_cast %get3A_58 : vector<1x16xf32> to vector<16xf32>
      %get3A_60 = arith.constant 10 : i32
      %get3A_61 = arith.index_cast %get3A_60 : i32 to index
      %get3A_62 = arith.index_cast %mul3A_10 : i32 to index
      %get3A_63 = tpu.vector_load %arg4[%get3A_61, %get3A_62] {strides = array<i32>} : memref<16x512xf32, #tpu.memory_space<vmem>>, vector<1x16xf32>,
      %get3A_64 = vector.shape_cast %get3A_63 : vector<1x16xf32> to vector<16xf32>
      %get3A_65 = arith.constant 11 : i32
      %get3A_66 = arith.index_cast %get3A_65 : i32 to index
      %get3A_67 = arith.index_cast %mul3A_10 : i32 to index
      %get3A_68 = tpu.vector_load %arg4[%get3A_66, %get3A_67] {strides = array<i32>} : memref<16x512xf32, #tpu.memory_space<vmem>>, vector<1x16xf32>,
      %get3A_69 = vector.shape_cast %get3A_68 : vector<1x16xf32> to vector<16xf32>
      %get3A_70 = arith.constant 12 : i32
      %get3A_71 = arith.index_cast %get3A_70 : i32 to index
      %get3A_72 = arith.index_cast %mul3A_10 : i32 to index
      %get3A_73 = tpu.vector_load %arg4[%get3A_71, %get3A_72] {strides = array<i32>} : memref<16x512xf32, #tpu.memory_space<vmem>>, vector<1x16xf32>,
      %get3A_74 = vector.shape_cast %get3A_73 : vector<1x16xf32> to vector<16xf32>
      %get3A_75 = arith.constant 13 : i32
      %get3A_76 = arith.index_cast %get3A_75 : i32 to index
      %get3A_77 = arith.index_cast %mul3A_10 : i32 to index
      %get3A_78 = tpu.vector_load %arg4[%get3A_76, %get3A_77] {strides = array<i32>} : memref<16x512xf32, #tpu.memory_space<vmem>>, vector<1x16xf32>,
      %get3A_79 = vector.shape_cast %get3A_78 : vector<1x16xf32> to vector<16xf32>
      %get3A_80 = arith.constant 14 : i32
      %get3A_81 = arith.index_cast %get3A_80 : i32 to index
      %get3A_82 = arith.index_cast %mul3A_10 : i32 to index
      %get3A_83 = tpu.vector_load %arg4[%get3A_81, %get3A_82] {strides = array<i32>} : memref<16x512xf32, #tpu.memory_space<vmem>>, vector<1x16xf32>,
      %get3A_84 = vector.shape_cast %get3A_83 : vector<1x16xf32> to vector<16xf32>
      %get3A_85 = arith.constant 15 : i32
      %get3A_86 = arith.index_cast %get3A_85 : i32 to index
      %get3A_87 = arith.index_cast %mul3A_10 : i32 to index
      %get3A_88 = tpu.vector_load %arg4[%get3A_86, %get3A_87] {strides = array<i32>} : memref<16x512xf32, #tpu.memory_space<vmem>>, vector<1x16xf32>,
      %get3A_89 = vector.shape_cast %get3A_88 : vector<1x16xf32> to vector<16xf32>
      %broadcast_in_dim3A = arith.constant 1.000000e+00 : f32
      %broadcast_in_dim3A_90 = vector.broadcast %broadcast_in_dim3A : f32 to vector<16xf32>
      %broadcast_in_dim3A_91 = arith.constant 0.000000e+00 : f32
      %broadcast_in_dim3A_92 = vector.broadcast %broadcast_in_dim3A_91 : f32 to vector<16xf32>
      %max3A = arith.maximumf %get3A_14, %get3A_19 : vector<16xf32>
      %max3A_93 = arith.maximumf %max3A, %get3A_24 : vector<16xf32>
      %max3A_94 = arith.maximumf %max3A_93, %get3A_29 : vector<16xf32>
      %max3A_95 = arith.maximumf %max3A_94, %get3A_34 : vector<16xf32>
      %max3A_96 = arith.maximumf %max3A_95, %get3A_39 : vector<16xf32>
      %max3A_97 = arith.maximumf %max3A_96, %get3A_44 : vector<16xf32>
      %max3A_98 = arith.maximumf %max3A_97, %get3A_49 : vector<16xf32>
      %eq3A = arith.cmpf oeq, %get3A_14, %max3A_98 : vector<16xf32>
      %select_n3A = arith.select %eq3A, %broadcast_in_dim3A_90, %broadcast_in_dim3A_92 : vector<16xi1>, vector<16xf32>
      %eq3A_99 = arith.cmpf oeq, %get3A_19, %max3A_98 : vector<16xf32>
      %select_n3A_100 = arith.select %eq3A_99, %broadcast_in_dim3A_90, %broadcast_in_dim3A_92 : vector<16xi1>, vector<16xf32>
      %eq3A_101 = arith.cmpf oeq, %get3A_24, %max3A_98 : vector<16xf32>
      %select_n3A_102 = arith.select %eq3A_101, %broadcast_in_dim3A_90, %broadcast_in_dim3A_92 : vector<16xi1>, vector<16xf32>
      %eq3A_103 = arith.cmpf oeq, %get3A_29, %max3A_98 : vector<16xf32>
      %select_n3A_104 = arith.select %eq3A_103, %broadcast_in_dim3A_90, %broadcast_in_dim3A_92 : vector<16xi1>, vector<16xf32>
      %eq3A_105 = arith.cmpf oeq, %get3A_34, %max3A_98 : vector<16xf32>
      %select_n3A_106 = arith.select %eq3A_105, %broadcast_in_dim3A_90, %broadcast_in_dim3A_92 : vector<16xi1>, vector<16xf32>
      %eq3A_107 = arith.cmpf oeq, %get3A_39, %max3A_98 : vector<16xf32>
      %select_n3A_108 = arith.select %eq3A_107, %broadcast_in_dim3A_90, %broadcast_in_dim3A_92 : vector<16xi1>, vector<16xf32>
      %eq3A_109 = arith.cmpf oeq, %get3A_44, %max3A_98 : vector<16xf32>
      %select_n3A_110 = arith.select %eq3A_109, %broadcast_in_dim3A_90, %broadcast_in_dim3A_92 : vector<16xi1>, vector<16xf32>
      %eq3A_111 = arith.cmpf oeq, %get3A_49, %max3A_98 : vector<16xf32>
      %select_n3A_112 = arith.select %eq3A_111, %broadcast_in_dim3A_90, %broadcast_in_dim3A_92 : vector<16xi1>, vector<16xf32>
      %sub3A = arith.subf %broadcast_in_dim3A_90, %select_n3A : vector<16xf32>
      %mul3A_113 = arith.mulf %select_n3A_100, %sub3A : vector<16xf32>
      %max3A_114 = arith.maximumf %select_n3A, %select_n3A_100 : vector<16xf32>
      %sub3A_115 = arith.subf %broadcast_in_dim3A_90, %max3A_114 : vector<16xf32>
      %mul3A_116 = arith.mulf %select_n3A_102, %sub3A_115 : vector<16xf32>
      %max3A_117 = arith.maximumf %max3A_114, %select_n3A_102 : vector<16xf32>
      %sub3A_118 = arith.subf %broadcast_in_dim3A_90, %max3A_117 : vector<16xf32>
      %mul3A_119 = arith.mulf %select_n3A_104, %sub3A_118 : vector<16xf32>
      %max3A_120 = arith.maximumf %max3A_117, %select_n3A_104 : vector<16xf32>
      %sub3A_121 = arith.subf %broadcast_in_dim3A_90, %max3A_120 : vector<16xf32>
      %mul3A_122 = arith.mulf %select_n3A_106, %sub3A_121 : vector<16xf32>
      %max3A_123 = arith.maximumf %max3A_120, %select_n3A_106 : vector<16xf32>
      %sub3A_124 = arith.subf %broadcast_in_dim3A_90, %max3A_123 : vector<16xf32>
      %mul3A_125 = arith.mulf %select_n3A_108, %sub3A_124 : vector<16xf32>
      %max3A_126 = arith.maximumf %max3A_123, %select_n3A_108 : vector<16xf32>
      %sub3A_127 = arith.subf %broadcast_in_dim3A_90, %max3A_126 : vector<16xf32>
      %mul3A_128 = arith.mulf %select_n3A_110, %sub3A_127 : vector<16xf32>
      %max3A_129 = arith.maximumf %max3A_126, %select_n3A_110 : vector<16xf32>
      %sub3A_130 = arith.subf %broadcast_in_dim3A_90, %max3A_129 : vector<16xf32>
      %mul3A_131 = arith.mulf %select_n3A_112, %sub3A_130 : vector<16xf32>
      %max3A_132 = arith.maximumf %max3A_129, %select_n3A_112 : vector<16xf32>
      %mul3A_133 = arith.constant -3.000000e+38 : f32
      %mul3A_134 = vector.broadcast %mul3A_133 : f32 to vector<16xf32>
      %mul3A_135 = arith.mulf %select_n3A, %mul3A_134 : vector<16xf32>
      %add3A_136 = arith.addf %get3A_14, %mul3A_135 : vector<16xf32>
      %mul3A_137 = arith.constant -3.000000e+38 : f32
      %mul3A_138 = vector.broadcast %mul3A_137 : f32 to vector<16xf32>
      %mul3A_139 = arith.mulf %mul3A_113, %mul3A_138 : vector<16xf32>
      %add3A_140 = arith.addf %get3A_19, %mul3A_139 : vector<16xf32>
      %mul3A_141 = arith.constant -3.000000e+38 : f32
      %mul3A_142 = vector.broadcast %mul3A_141 : f32 to vector<16xf32>
      %mul3A_143 = arith.mulf %mul3A_116, %mul3A_142 : vector<16xf32>
      %add3A_144 = arith.addf %get3A_24, %mul3A_143 : vector<16xf32>
      %mul3A_145 = arith.constant -3.000000e+38 : f32
      %mul3A_146 = vector.broadcast %mul3A_145 : f32 to vector<16xf32>
      %mul3A_147 = arith.mulf %mul3A_119, %mul3A_146 : vector<16xf32>
      %add3A_148 = arith.addf %get3A_29, %mul3A_147 : vector<16xf32>
      %mul3A_149 = arith.constant -3.000000e+38 : f32
      %mul3A_150 = vector.broadcast %mul3A_149 : f32 to vector<16xf32>
      %mul3A_151 = arith.mulf %mul3A_122, %mul3A_150 : vector<16xf32>
      %add3A_152 = arith.addf %get3A_34, %mul3A_151 : vector<16xf32>
      %mul3A_153 = arith.constant -3.000000e+38 : f32
      %mul3A_154 = vector.broadcast %mul3A_153 : f32 to vector<16xf32>
      %mul3A_155 = arith.mulf %mul3A_125, %mul3A_154 : vector<16xf32>
      %add3A_156 = arith.addf %get3A_39, %mul3A_155 : vector<16xf32>
      %mul3A_157 = arith.constant -3.000000e+38 : f32
      %mul3A_158 = vector.broadcast %mul3A_157 : f32 to vector<16xf32>
      %mul3A_159 = arith.mulf %mul3A_128, %mul3A_158 : vector<16xf32>
      %add3A_160 = arith.addf %get3A_44, %mul3A_159 : vector<16xf32>
      %mul3A_161 = arith.constant -3.000000e+38 : f32
      %mul3A_162 = vector.broadcast %mul3A_161 : f32 to vector<16xf32>
      %mul3A_163 = arith.mulf %mul3A_131, %mul3A_162 : vector<16xf32>
      %add3A_164 = arith.addf %get3A_49, %mul3A_163 : vector<16xf32>
      %max3A_165 = arith.maximumf %add3A_136, %add3A_140 : vector<16xf32>
      %max3A_166 = arith.maximumf %max3A_165, %add3A_144 : vector<16xf32>
      %max3A_167 = arith.maximumf %max3A_166, %add3A_148 : vector<16xf32>
      %max3A_168 = arith.maximumf %max3A_167, %add3A_152 : vector<16xf32>
      %max3A_169 = arith.maximumf %max3A_168, %add3A_156 : vector<16xf32>
      %max3A_170 = arith.maximumf %max3A_169, %add3A_160 : vector<16xf32>
      %max3A_171 = arith.maximumf %max3A_170, %add3A_164 : vector<16xf32>
      %eq3A_172 = arith.cmpf oeq, %add3A_136, %max3A_171 : vector<16xf32>
      %select_n3A_173 = arith.select %eq3A_172, %broadcast_in_dim3A_90, %broadcast_in_dim3A_92 : vector<16xi1>, vector<16xf32>
      %eq3A_174 = arith.cmpf oeq, %add3A_140, %max3A_171 : vector<16xf32>
      %select_n3A_175 = arith.select %eq3A_174, %broadcast_in_dim3A_90, %broadcast_in_dim3A_92 : vector<16xi1>, vector<16xf32>
      %eq3A_176 = arith.cmpf oeq, %add3A_144, %max3A_171 : vector<16xf32>
      %select_n3A_177 = arith.select %eq3A_176, %broadcast_in_dim3A_90, %broadcast_in_dim3A_92 : vector<16xi1>, vector<16xf32>
      %eq3A_178 = arith.cmpf oeq, %add3A_148, %max3A_171 : vector<16xf32>
      %select_n3A_179 = arith.select %eq3A_178, %broadcast_in_dim3A_90, %broadcast_in_dim3A_92 : vector<16xi1>, vector<16xf32>
      %eq3A_180 = arith.cmpf oeq, %add3A_152, %max3A_171 : vector<16xf32>
      %select_n3A_181 = arith.select %eq3A_180, %broadcast_in_dim3A_90, %broadcast_in_dim3A_92 : vector<16xi1>, vector<16xf32>
      %eq3A_182 = arith.cmpf oeq, %add3A_156, %max3A_171 : vector<16xf32>
      %select_n3A_183 = arith.select %eq3A_182, %broadcast_in_dim3A_90, %broadcast_in_dim3A_92 : vector<16xi1>, vector<16xf32>
      %eq3A_184 = arith.cmpf oeq, %add3A_160, %max3A_171 : vector<16xf32>
      %select_n3A_185 = arith.select %eq3A_184, %broadcast_in_dim3A_90, %broadcast_in_dim3A_92 : vector<16xi1>, vector<16xf32>
      %eq3A_186 = arith.cmpf oeq, %add3A_164, %max3A_171 : vector<16xf32>
      %select_n3A_187 = arith.select %eq3A_186, %broadcast_in_dim3A_90, %broadcast_in_dim3A_92 : vector<16xi1>, vector<16xf32>
      %sub3A_188 = arith.subf %broadcast_in_dim3A_90, %select_n3A_173 : vector<16xf32>
      %mul3A_189 = arith.mulf %select_n3A_175, %sub3A_188 : vector<16xf32>
      %max3A_190 = arith.maximumf %select_n3A_173, %select_n3A_175 : vector<16xf32>
      %sub3A_191 = arith.subf %broadcast_in_dim3A_90, %max3A_190 : vector<16xf32>
      %mul3A_192 = arith.mulf %select_n3A_177, %sub3A_191 : vector<16xf32>
      %max3A_193 = arith.maximumf %max3A_190, %select_n3A_177 : vector<16xf32>
      %sub3A_194 = arith.subf %broadcast_in_dim3A_90, %max3A_193 : vector<16xf32>
      %mul3A_195 = arith.mulf %select_n3A_179, %sub3A_194 : vector<16xf32>
      %max3A_196 = arith.maximumf %max3A_193, %select_n3A_179 : vector<16xf32>
      %sub3A_197 = arith.subf %broadcast_in_dim3A_90, %max3A_196 : vector<16xf32>
      %mul3A_198 = arith.mulf %select_n3A_181, %sub3A_197 : vector<16xf32>
      %max3A_199 = arith.maximumf %max3A_196, %select_n3A_181 : vector<16xf32>
      %sub3A_200 = arith.subf %broadcast_in_dim3A_90, %max3A_199 : vector<16xf32>
      %mul3A_201 = arith.mulf %select_n3A_183, %sub3A_200 : vector<16xf32>
      %max3A_202 = arith.maximumf %max3A_199, %select_n3A_183 : vector<16xf32>
      %sub3A_203 = arith.subf %broadcast_in_dim3A_90, %max3A_202 : vector<16xf32>
      %mul3A_204 = arith.mulf %select_n3A_185, %sub3A_203 : vector<16xf32>
      %max3A_205 = arith.maximumf %max3A_202, %select_n3A_185 : vector<16xf32>
      %sub3A_206 = arith.subf %broadcast_in_dim3A_90, %max3A_205 : vector<16xf32>
      %mul3A_207 = arith.mulf %select_n3A_187, %sub3A_206 : vector<16xf32>
      %max3A_208 = arith.maximumf %max3A_205, %select_n3A_187 : vector<16xf32>
      %add3A_209 = arith.addf %select_n3A, %select_n3A_173 : vector<16xf32>
      %sub3A_210 = arith.subf %get3A_14, %max3A_98 : vector<16xf32>
      %exp3A = math.exp %sub3A_210 : vector<16xf32>
      %mul3A_211 = arith.mulf %add3A_209, %exp3A : vector<16xf32>
      %neg3A = arith.constant 0.000000e+00 : f32
      %neg3A_212 = vector.broadcast %neg3A : f32 to vector<16xf32>
      %neg3A_213 = arith.subf %neg3A_212, %get3A_54 : vector<16xf32>
      %exp3A_214 = math.exp %neg3A_213 : vector<16xf32>
      %add3A_215 = arith.constant 1.000000e+00 : f32
      %add3A_216 = vector.broadcast %add3A_215 : f32 to vector<16xf32>
      %add3A_217 = arith.addf %add3A_216, %exp3A_214 : vector<16xf32>
      %div3A = arith.constant 1.000000e+00 : f32
      %div3A_218 = vector.broadcast %div3A : f32 to vector<16xf32>
      %div3A_219 = arith.divf %div3A_218, %add3A_217 : vector<16xf32>
      %mul3A_220 = arith.mulf %mul3A_211, %div3A_219 : vector<16xf32>
      %add3A_221 = arith.addf %broadcast_in_dim3A_92, %mul3A_220 : vector<16xf32>
      %add3A_222 = arith.addf %broadcast_in_dim3A_92, %mul3A_211 : vector<16xf32>
      %add3A_223 = arith.addf %mul3A_113, %mul3A_189 : vector<16xf32>
      %sub3A_224 = arith.subf %get3A_19, %max3A_98 : vector<16xf32>
      %exp3A_225 = math.exp %sub3A_224 : vector<16xf32>
      %mul3A_226 = arith.mulf %add3A_223, %exp3A_225 : vector<16xf32>
      %neg3A_227 = arith.constant 0.000000e+00 : f32
      %neg3A_228 = vector.broadcast %neg3A_227 : f32 to vector<16xf32>
      %neg3A_229 = arith.subf %neg3A_228, %get3A_59 : vector<16xf32>
      %exp3A_230 = math.exp %neg3A_229 : vector<16xf32>
      %add3A_231 = arith.constant 1.000000e+00 : f32
      %add3A_232 = vector.broadcast %add3A_231 : f32 to vector<16xf32>
      %add3A_233 = arith.addf %add3A_232, %exp3A_230 : vector<16xf32>
      %div3A_234 = arith.constant 1.000000e+00 : f32
      %div3A_235 = vector.broadcast %div3A_234 : f32 to vector<16xf32>
      %div3A_236 = arith.divf %div3A_235, %add3A_233 : vector<16xf32>
      %mul3A_237 = arith.mulf %mul3A_226, %div3A_236 : vector<16xf32>
      %add3A_238 = arith.addf %add3A_221, %mul3A_237 : vector<16xf32>
      %add3A_239 = arith.addf %add3A_222, %mul3A_226 : vector<16xf32>
      %add3A_240 = arith.addf %mul3A_116, %mul3A_192 : vector<16xf32>
      %sub3A_241 = arith.subf %get3A_24, %max3A_98 : vector<16xf32>
      %exp3A_242 = math.exp %sub3A_241 : vector<16xf32>
      %mul3A_243 = arith.mulf %add3A_240, %exp3A_242 : vector<16xf32>
      %neg3A_244 = arith.constant 0.000000e+00 : f32
      %neg3A_245 = vector.broadcast %neg3A_244 : f32 to vector<16xf32>
      %neg3A_246 = arith.subf %neg3A_245, %get3A_64 : vector<16xf32>
      %exp3A_247 = math.exp %neg3A_246 : vector<16xf32>
      %add3A_248 = arith.constant 1.000000e+00 : f32
      %add3A_249 = vector.broadcast %add3A_248 : f32 to vector<16xf32>
      %add3A_250 = arith.addf %add3A_249, %exp3A_247 : vector<16xf32>
      %div3A_251 = arith.constant 1.000000e+00 : f32
      %div3A_252 = vector.broadcast %div3A_251 : f32 to vector<16xf32>
      %div3A_253 = arith.divf %div3A_252, %add3A_250 : vector<16xf32>
      %mul3A_254 = arith.mulf %mul3A_243, %div3A_253 : vector<16xf32>
      %add3A_255 = arith.addf %add3A_238, %mul3A_254 : vector<16xf32>
      %add3A_256 = arith.addf %add3A_239, %mul3A_243 : vector<16xf32>
      %add3A_257 = arith.addf %mul3A_119, %mul3A_195 : vector<16xf32>
      %sub3A_258 = arith.subf %get3A_29, %max3A_98 : vector<16xf32>
      %exp3A_259 = math.exp %sub3A_258 : vector<16xf32>
      %mul3A_260 = arith.mulf %add3A_257, %exp3A_259 : vector<16xf32>
      %neg3A_261 = arith.constant 0.000000e+00 : f32
      %neg3A_262 = vector.broadcast %neg3A_261 : f32 to vector<16xf32>
      %neg3A_263 = arith.subf %neg3A_262, %get3A_69 : vector<16xf32>
      %exp3A_264 = math.exp %neg3A_263 : vector<16xf32>
      %add3A_265 = arith.constant 1.000000e+00 : f32
      %add3A_266 = vector.broadcast %add3A_265 : f32 to vector<16xf32>
      %add3A_267 = arith.addf %add3A_266, %exp3A_264 : vector<16xf32>
      %div3A_268 = arith.constant 1.000000e+00 : f32
      %div3A_269 = vector.broadcast %div3A_268 : f32 to vector<16xf32>
      %div3A_270 = arith.divf %div3A_269, %add3A_267 : vector<16xf32>
      %mul3A_271 = arith.mulf %mul3A_260, %div3A_270 : vector<16xf32>
      %add3A_272 = arith.addf %add3A_255, %mul3A_271 : vector<16xf32>
      %add3A_273 = arith.addf %add3A_256, %mul3A_260 : vector<16xf32>
      %add3A_274 = arith.addf %mul3A_122, %mul3A_198 : vector<16xf32>
      %sub3A_275 = arith.subf %get3A_34, %max3A_98 : vector<16xf32>
      %exp3A_276 = math.exp %sub3A_275 : vector<16xf32>
      %mul3A_277 = arith.mulf %add3A_274, %exp3A_276 : vector<16xf32>
      %neg3A_278 = arith.constant 0.000000e+00 : f32
      %neg3A_279 = vector.broadcast %neg3A_278 : f32 to vector<16xf32>
      %neg3A_280 = arith.subf %neg3A_279, %get3A_74 : vector<16xf32>
      %exp3A_281 = math.exp %neg3A_280 : vector<16xf32>
      %add3A_282 = arith.constant 1.000000e+00 : f32
      %add3A_283 = vector.broadcast %add3A_282 : f32 to vector<16xf32>
      %add3A_284 = arith.addf %add3A_283, %exp3A_281 : vector<16xf32>
      %div3A_285 = arith.constant 1.000000e+00 : f32
      %div3A_286 = vector.broadcast %div3A_285 : f32 to vector<16xf32>
      %div3A_287 = arith.divf %div3A_286, %add3A_284 : vector<16xf32>
      %mul3A_288 = arith.mulf %mul3A_277, %div3A_287 : vector<16xf32>
      %add3A_289 = arith.addf %add3A_272, %mul3A_288 : vector<16xf32>
      %add3A_290 = arith.addf %add3A_273, %mul3A_277 : vector<16xf32>
      %add3A_291 = arith.addf %mul3A_125, %mul3A_201 : vector<16xf32>
      %sub3A_292 = arith.subf %get3A_39, %max3A_98 : vector<16xf32>
      %exp3A_293 = math.exp %sub3A_292 : vector<16xf32>
      %mul3A_294 = arith.mulf %add3A_291, %exp3A_293 : vector<16xf32>
      %neg3A_295 = arith.constant 0.000000e+00 : f32
      %neg3A_296 = vector.broadcast %neg3A_295 : f32 to vector<16xf32>
      %neg3A_297 = arith.subf %neg3A_296, %get3A_79 : vector<16xf32>
      %exp3A_298 = math.exp %neg3A_297 : vector<16xf32>
      %add3A_299 = arith.constant 1.000000e+00 : f32
      %add3A_300 = vector.broadcast %add3A_299 : f32 to vector<16xf32>
      %add3A_301 = arith.addf %add3A_300, %exp3A_298 : vector<16xf32>
      %div3A_302 = arith.constant 1.000000e+00 : f32
      %div3A_303 = vector.broadcast %div3A_302 : f32 to vector<16xf32>
      %div3A_304 = arith.divf %div3A_303, %add3A_301 : vector<16xf32>
      %mul3A_305 = arith.mulf %mul3A_294, %div3A_304 : vector<16xf32>
      %add3A_306 = arith.addf %add3A_289, %mul3A_305 : vector<16xf32>
      %add3A_307 = arith.addf %add3A_290, %mul3A_294 : vector<16xf32>
      %add3A_308 = arith.addf %mul3A_128, %mul3A_204 : vector<16xf32>
      %sub3A_309 = arith.subf %get3A_44, %max3A_98 : vector<16xf32>
      %exp3A_310 = math.exp %sub3A_309 : vector<16xf32>
      %mul3A_311 = arith.mulf %add3A_308, %exp3A_310 : vector<16xf32>
      %neg3A_312 = arith.constant 0.000000e+00 : f32
      %neg3A_313 = vector.broadcast %neg3A_312 : f32 to vector<16xf32>
      %neg3A_314 = arith.subf %neg3A_313, %get3A_84 : vector<16xf32>
      %exp3A_315 = math.exp %neg3A_314 : vector<16xf32>
      %add3A_316 = arith.constant 1.000000e+00 : f32
      %add3A_317 = vector.broadcast %add3A_316 : f32 to vector<16xf32>
      %add3A_318 = arith.addf %add3A_317, %exp3A_315 : vector<16xf32>
      %div3A_319 = arith.constant 1.000000e+00 : f32
      %div3A_320 = vector.broadcast %div3A_319 : f32 to vector<16xf32>
      %div3A_321 = arith.divf %div3A_320, %add3A_318 : vector<16xf32>
      %mul3A_322 = arith.mulf %mul3A_311, %div3A_321 : vector<16xf32>
      %add3A_323 = arith.addf %add3A_306, %mul3A_322 : vector<16xf32>
      %add3A_324 = arith.addf %add3A_307, %mul3A_311 : vector<16xf32>
      %add3A_325 = arith.addf %mul3A_131, %mul3A_207 : vector<16xf32>
      %sub3A_326 = arith.subf %get3A_49, %max3A_98 : vector<16xf32>
      %exp3A_327 = math.exp %sub3A_326 : vector<16xf32>
      %mul3A_328 = arith.mulf %add3A_325, %exp3A_327 : vector<16xf32>
      %neg3A_329 = arith.constant 0.000000e+00 : f32
      %neg3A_330 = vector.broadcast %neg3A_329 : f32 to vector<16xf32>
      %neg3A_331 = arith.subf %neg3A_330, %get3A_89 : vector<16xf32>
      %exp3A_332 = math.exp %neg3A_331 : vector<16xf32>
      %add3A_333 = arith.constant 1.000000e+00 : f32
      %add3A_334 = vector.broadcast %add3A_333 : f32 to vector<16xf32>
      %add3A_335 = arith.addf %add3A_334, %exp3A_332 : vector<16xf32>
      %div3A_336 = arith.constant 1.000000e+00 : f32
      %div3A_337 = vector.broadcast %div3A_336 : f32 to vector<16xf32>
      %div3A_338 = arith.divf %div3A_337, %add3A_335 : vector<16xf32>
      %mul3A_339 = arith.mulf %mul3A_328, %div3A_338 : vector<16xf32>
      %add3A_340 = arith.addf %add3A_323, %mul3A_339 : vector<16xf32>
      %add3A_341 = arith.addf %add3A_324, %mul3A_328 : vector<16xf32>
      %div3A_342 = arith.divf %add3A_340, %add3A_341 : vector<16xf32>
      %swap3A = arith.index_cast %mul3A_10 : i32 to index
      %swap3A_343 = tpu.vector_load %arg5[%swap3A] {strides = array<i32>} : memref<512xf32, #tpu.memory_space<vmem>>, vector<16xf32>,
      %swap3A_344 = vector.shape_cast %swap3A_343 : vector<16xf32> to vector<16xf32>
      %swap3A_345 = vector.shape_cast %div3A_342 : vector<16xf32> to vector<16xf32>
      tpu.vector_store %arg5[%swap3A], %swap3A_345 {strides = array<i32>} : memref<512xf32, #tpu.memory_space<vmem>>, vector<16xf32>,
    }
    %scan3A_7 = arith.constant 32 : i32
    "tpu.region"() ({
      %run_scoped3A = tpu.sem_alloc : memref<!tpu.dma_semaphore, #tpu.memory_space<semaphore_mem>>
      %dma_start3A = tpu.memref_slice %arg3[%mul3A_2] : memref<16384xf32, #tpu.memory_space<hbm>> -> memref<512xf32, #tpu.memory_space<hbm>>
      %dma_start3A_8 = tpu.memref_slice %arg3[%mul3A_2] : memref<16384xf32, #tpu.memory_space<hbm>> -> memref<512xf32, #tpu.memory_space<hbm>>
      tpu.enqueue_dma source(%arg5 : memref<512xf32, #tpu.memory_space<vmem>>) target(%dma_start3A_8 : memref<512xf32, #tpu.memory_space<hbm>>) target_semaphore(%run_scoped3A : memref<!tpu.dma_semaphore, #tpu.memory_space<semaphore_mem>>)
      %dma_wait3A = tpu.memref_slice %arg3[%mul3A_2] : memref<16384xf32, #tpu.memory_space<hbm>> -> memref<512xf32, #tpu.memory_space<hbm>>
      %dma_wait3A_9 = tpu.memref_slice %arg3[%mul3A_2] : memref<16384xf32, #tpu.memory_space<hbm>> -> memref<512xf32, #tpu.memory_space<hbm>>
      tpu.wait_dma2 semaphore(%run_scoped3A : memref<!tpu.dma_semaphore, #tpu.memory_space<semaphore_mem>>) src(%arg5 : memref<512xf32, #tpu.memory_space<vmem>>) dst(%dma_wait3A_9 : memref<512xf32, #tpu.memory_space<hbm>>)
      tpu.yield
    }) : () -> ()
    return
  }
}

module attributes {stable_mosaic.version = 14 : i64} {
  func.func @_proj_body(%arg0: i32, %arg1: memref<4096x768xf32, #tpu.memory_space<vmem>>, %arg2: memref<768x16xf32, #tpu.memory_space<vmem>>, %arg3: memref<1x16xf32, #tpu.memory_space<vmem>>, %arg4: memref<16x4096xf32, #tpu.memory_space<vmem>>) attributes {dimension_semantics = [#tpu.dimension_semantics<arbitrary>], iteration_bounds = array<i64: 4>, scalar_prefetch = 0 : i64, scratch_operands = 0 : i64, tpu.core_type = #tpu.core_type<tc>, window_params = [{transform_indices = @transform_0, window_bounds = array<i64: 4096, 768>}, {pipeline_mode = #tpu.pipeline_mode<synchronous>, transform_indices = @transform_1, window_bounds = array<i64: 768, 16>}, {pipeline_mode = #tpu.pipeline_mode<synchronous>, transform_indices = @transform_2, window_bounds = array<i64: 1, 16>}, {transform_indices = @transform_3, window_bounds = array<i64: 16, 4096>}]} {
    %get3A = arith.constant 0 : index
    %get3A_0 = arith.constant 0 : index
    %get3A_1 = vector.load %arg1[%get3A, %get3A_0] : memref<4096x768xf32, #tpu.memory_space<vmem>>, vector<4096x768xf32>
    %get3A_2 = arith.constant 0 : index
    %get3A_3 = arith.constant 0 : index
    %get3A_4 = vector.load %arg2[%get3A_2, %get3A_3] : memref<768x16xf32, #tpu.memory_space<vmem>>, vector<768x16xf32>
    %dot_general3A = arith.constant dense<0.000000e+00> : vector<4096x16xf32>
    %dot_general3A_5 = tpu.matmul %get3A_1, %get3A_4, %dot_general3A {dimension_numbers = #tpu.dot_dimension_numbers<[1], [0], [0], [1], [0, 0, 1, 1], [], []>, transpose_lhs_hint = false} : vector<4096x768xf32>, vector<768x16xf32>, vector<4096x16xf32> -> vector<4096x16xf32>
    %get3A_6 = arith.constant 0 : index
    %get3A_7 = arith.constant 0 : index
    %get3A_8 = vector.load %arg3[%get3A_6, %get3A_7] : memref<1x16xf32, #tpu.memory_space<vmem>>, vector<1x16xf32>
    %add3A = vector.broadcast %get3A_8 : vector<1x16xf32> to vector<4096x16xf32>
    %add3A_9 = arith.addf %dot_general3A_5, %add3A : vector<4096x16xf32>
    %transpose3A = tpu.transpose %add3A_9, [1, 0] : vector<4096x16xf32> -> vector<16x4096xf32>
    %swap3A = arith.constant 0 : index
    %swap3A_10 = arith.constant 0 : index
    %swap3A_11 = vector.load %arg4[%swap3A, %swap3A_10] : memref<16x4096xf32, #tpu.memory_space<vmem>>, vector<16x4096xf32>
    tpu.vector_store %arg4[%swap3A, %swap3A_10], %transpose3A {strides = array<i32>} : memref<16x4096xf32, #tpu.memory_space<vmem>>, vector<16x4096xf32>,
    return
  }
  func.func @transform_0(%arg0: i32) -> (i32, i32) {
    %c0_i32 = arith.constant 0 : i32
    %c0_i32_0 = arith.constant 0 : i32
    return %arg0, %c0_i32 : i32, i32
  }
  func.func @transform_1(%arg0: i32) -> (i32, i32) {
    %c0_i32 = arith.constant 0 : i32
    %c0_i32_0 = arith.constant 0 : i32
    %c0_i32_1 = arith.constant 0 : i32
    return %c0_i32, %c0_i32_0 : i32, i32
  }
  func.func @transform_2(%arg0: i32) -> (i32, i32) {
    %c0_i32 = arith.constant 0 : i32
    %c0_i32_0 = arith.constant 0 : i32
    %c0_i32_1 = arith.constant 0 : i32
    return %c0_i32, %c0_i32_0 : i32, i32
  }
  func.func @transform_3(%arg0: i32) -> (i32, i32) {
    %c0_i32 = arith.constant 0 : i32
    %c0_i32_0 = arith.constant 0 : i32
    return %c0_i32, %arg0 : i32, i32
  }
}

</mosaic_0001>

<sc_bundles>
// kernel: kernel.6.cloned.1.call-start
scs
__scs_entry_jumppad:
0x0: {  	(pc) =	sbr.rel $0x88, $3  }
0x1: {  	(tag) =	ssettag $0x0;
	lr =	simm.s32 $0x1  }
0x2: {  	[smem:$0x3F9C] =	sst lr;
	_ =	strace $0xD0000000  }
0x3: {  	_ = 	snop  }
0x4: {  	_ = 	snop  }
0x5: {  	_ = 	snop  }
0x6: {  	_ = 	snop  }
0x7: {  	_ = 	snop  }
__scs_overlays_trampoline_lowered:
0x8: {  	[smem:$0x3FAB] =	sst s0  }
0x9: {  	[smem:$0x3FAC] =	sst s1  }
0xa: {  	[smem:$0x3FAD] =	sst s2  }
0xb: {  	[smem:$0x3FAE] =	sst s3  }
0xc: {  	[smem:$0x3FAF] =	sst s4  }
0xd: {  	[smem:$0x3FB0] =	sst s5  }
0xe: {  	[smem:$0x3FB1] =	sst s6  }
0xf: {  	[smem:$0x3FB2] =	sst s7  }
0x10: {  	[smem:$0x3FB3] =	sst s8  }
0x11: {  	[smem:$0x3FB4] =	sst s9;
	s0 =	simm.s32 @!p0 $0x0  }
0x12: {  	s1 =	sld [smem:$0x3F9A];
	s0 =	simm.s32 @p0 $0x1  }
0x13: {  	[smem:$0x3FB5] =	sst s0;
	s0 =	simm.s32 @!p1 $0x0  }
0x14: {  	s2 =	sld [smem:$0x3F99];
	s0 =	simm.s32 @p1 $0x1  }
0x15: {  	[smem:$0x3FB6] =	sst s0;
	s0 =	simm.s32 @!p2 $0x0  }
0x16: {  	s3 =	sld [smem:$0x3FDB];
	s0 =	simm.s32 @p2 $0x1  }
0x17: {  	s4 =	simm.s32 $0x1BF5;
	[smem:$0x3FB8] =	sst s0  }
0x18: {  	s0 =	sld [smem:$0x3F9B];
	_ =	swait.ge [sflag:s4], $0x0  }
0x19: {  	s7 =	sld [smem:$0x3F9C]  }
0x1a: {  	s8 =	sadd.s32 $0xFFFFE003, lr  }
0x1b: {  	s9 =	sadd.s32 $0xFFFFFEF7, lr;
	s5 =	simm.s32 $0xFFFFFFFF;
	p2 =	slt.u32 s8, $0xFFFFF086  }
0x1c: {  	p1 =	slt.u32 s9, $0xF7A;
	s5 =	simm.s32 @!p2 $0x0  }
0x1d: {  	s5 =	simm.s32 @p1 $0x1;
	p0 =	seq.s32 s7, s2  }
0x1e: {  	s7 =	smul.u32 @!p0 $0xF7A, s2;
	p2 =	seq.s32 @!p0 s5, $0x0  }
0x1f: {  	s9 =	smul.u32 $0xF7A, s1;
	s8 =	simm.s32 @!p0 $0x1BF5;
	p2 =	por !p2, p0  }
0x20: {  	[sflag:s8] =	ssyncset.s32 @!p0 $0xFFFFF086;
	s6 =	sadd.s32 @!p0 s3, s7;
	s7 =	simm.s32 @!p0 $0x108  }
0x21: {  	s3 =	sadd.s32 s3, s9;
	s6 =	sadd.s32 @!p0 $0x88, s6;
	s7 =	simm.s32 @p2 $0x1082  }
0x22: {  	[simem:s7], [sflag:s8] =	dma.local @!p0 [hbm:s6], $0xF7A  }
0x23: {  	s9 =	sor.u32 $0xD0000000, s2;
	s6 =	simm.s32 $0x108;
	_ =	swait.ge @!p0 [sflag:s8], $0x0  }
0x24: {  	s3 =	sadd.s32 $0x88, s3;
	s6 =	simm.s32 @!p1 $0x1082;
	[sflag:s4] =	ssyncset.s32 $0xFFFFF086  }
0x25: {  	[simem:s6], [sflag:s4] =	dma.local [hbm:s3], $0xF7A  }
0x26: {  	[smem:$0x3F9C] =	sst s1;
	(tag) =	ssettag s2;
	_ =	strace s9  }
0x27: {  	s1 =	sld [smem:$0x3FAC]  }
0x28: {  	s2 =	sld [smem:$0x3FAD]  }
0x29: {  	s4 =	sld [smem:$0x3FAF]  }
0x2a: {  	p0 =	seq.s32 s5, $0x0;
	s5 =	sld [smem:$0x3FB0]  }
0x2b: {  	s6 =	sld [smem:$0x3FB1]  }
0x2c: {  	s7 =	sld [smem:$0x3FB2]  }
0x2d: {  	s3 =	simm.s32 $0x108;
	s8 =	sld [smem:$0x3FB3]  }
0x2e: {  	s3 =	simm.s32 @!p0 $0x1082;
	s9 =	sld [smem:$0x3FB4]  }
0x2f: {  	lr =	sadd.s32 s0, s3;
	s0 =	sld [smem:$0x3FAB]  }
0x30: {  	s3 =	sld [smem:$0x3FAE]  }
0x31: {  	[smem:$0x3FB7] =	sst s10  }
0x32: {  	s10 =	sld [smem:$0x3FB5];
	_ =	sdelay $0x3  }
0x33: {  	p0 =	seq.s32 s10, $0x1;
	s10 =	sld [smem:$0x3FB7];
	_ =	sdelay $0x3  }
0x34: {  	[smem:$0x3FB7] =	sst s10  }
0x35: {  	s10 =	sld [smem:$0x3FB6];
	_ =	sdelay $0x3  }
0x36: {  	p1 =	seq.s32 s10, $0x1;
	s10 =	sld [smem:$0x3FB7];
	_ =	sdelay $0x3  }
0x37: {  	[smem:$0x3FB7] =	sst s10  }
0x38: {  	s10 =	sld [smem:$0x3FB8]  }
0x39: {  	_ = 	snop;
	(pc) =	sbr.ind lr, $3  }
0x3a: {  	_ = 	snop  }
0x3b: {  	_ = 	snop  }
0x3c: {  	p2 =	seq.s32 s10, $0x1;
	s10 =	sld [smem:$0x3FB7]  }
0x3d: {  	_ =	shalt  }
0x3e: {  	_ =	shalt  }
0x3f: {  	_ =	shalt  }
0x40: {  	_ =	shalt  }
0x41: {  	_ =	shalt  }
0x42: {  	_ =	shalt  }
0x43: {  	_ =	shalt  }
0x44: {  	_ =	shalt  }
0x45: {  	_ =	shalt  }
0x46: {  	_ =	shalt  }
0x47: {  	_ =	shalt  }
0x48: {  	_ =	shalt  }
0x49: {  	_ =	shalt  }
0x4a: {  	_ =	shalt  }
0x4b: {  	_ =	shalt  }
0x4c: {  	_ =	shalt  }
0x4d: {  	_ =	shalt  }
0x4e: {  	_ =	shalt  }
0x4f: {  	_ =	shalt  }
0x50: {  	_ =	shalt  }
0x51: {  	_ =	shalt  }
0x52: {  	_ =	shalt  }
0x53: {  	_ =	shalt  }
0x54: {  	_ =	shalt  }
0x55: {  	_ =	shalt  }
0x56: {  	_ =	shalt  }
0x57: {  	_ =	shalt  }
0x58: {  	_ =	shalt  }
0x59: {  	_ =	shalt  }
0x5a: {  	_ =	shalt  }
0x5b: {  	_ =	shalt  }
0x5c: {  	_ =	shalt  }
0x5d: {  	_ =	shalt  }
0x5e: {  	_ =	shalt  }
0x5f: {  	_ =	shalt  }
0x60: {  	_ =	shalt  }
0x61: {  	_ =	shalt  }
0x62: {  	_ =	shalt  }
0x63: {  	_ =	shalt  }
0x64: {  	_ =	shalt  }
0x65: {  	_ =	shalt  }
0x66: {  	_ =	shalt  }
0x67: {  	_ =	shalt  }
0x68: {  	_ =	shalt  }
0x69: {  	_ =	shalt  }
0x6a: {  	_ =	shalt  }
0x6b: {  	_ =	shalt  }
0x6c: {  	_ =	shalt  }
0x6d: {  	_ =	shalt  }
0x6e: {  	_ =	shalt  }
0x6f: {  	_ =	shalt  }
0x70: {  	_ =	shalt  }
0x71: {  	_ =	shalt  }
0x72: {  	_ =	shalt  }
0x73: {  	_ =	shalt  }
0x74: {  	_ =	shalt  }
0x75: {  	_ =	shalt  }
0x76: {  	_ =	shalt  }
0x77: {  	_ =	shalt  }
0x78: {  	_ =	shalt  }
0x79: {  	_ =	shalt  }
0x7a: {  	_ =	shalt  }
0x7b: {  	_ =	shalt  }
0x7c: {  	_ =	shalt  }
0x7d: {  	_ =	shalt  }
0x7e: {  	_ =	shalt  }
0x7f: {  	_ =	shalt  }
0x80: {  	_ =	shalt  }
0x81: {  	_ =	shalt  }
0x82: {  	_ =	shalt  }
0x83: {  	_ =	shalt  }
0x84: {  	_ =	shalt  }
0x85: {  	_ =	shalt  }
0x86: {  	_ =	shalt  }
0x87: {  	_ =	shalt  }
.Lfunc_end0:
.L_simem_size_0:
called_computation_lowered:
.L_overlay_start_0:
0x88: {  	s2 =	sld [smem:$0x3FD9]  }
0x89: {  	s3 =	sld [smem:$0x3FFE];
	_ =	sdelay $0x1  }
0x8a: {  	s1 =	srdreg.scid  }
0x8b: {  	s0 =	sand.u32 $0x1, s1  }
0x8c: {  	s17 =	sshll.u32 s0, $0xA;
	s2 =	sadd.s32 s3, s2  }
0x8d: {  	s2 =	sadd.s32 s2, s17  }
0x8e: {  	[smem:$0x3FC3] =	sst s2  }
0x8f: {  	_ = 	snop  }
0x90: {  	(tm) =	ssettm $0x1  }
0x91: {  	s18 =	sld [smem:$0x3FFB];
	_ =	sdelay $0x3  }
0x92: {  	_ =	strace s18  }
0x93: {  	s2 =	sld [smem:$0x3FFC];
	_ =	sdelay $0x3  }
0x94: {  	_ =	strace s2  }
0x95: {  	s2 =	sld [smem:$0x3FFD];
	_ =	sdelay $0x3  }
0x96: {  	_ =	strace s2  }
0x97: {  	_ =	strace $0x8FFFFFFF  }
0x98: {  	s19 =	sld [smem:$0x3FDB];
	_ =	sdelay $0x1  }
0x99: {  	s20 =	simm.s32 $_scs_section_size  }
0x9a: {  	s4 =	simm.s32 $_size__tile_overlayer_lowered;
	s5 =	simm.s32 $_tile_overlayer_lowered  }
0x9b: {  	s6 =	simm.s32 $0x1BFF;
	s21 =	sshll.u32 s5, $0x1;
	s3 =	sadd.s32 s20, s19  }
0x9c: {  	s22 =	simm.s32 $0x0;
	s4 =	sshll.u32 s4, $0x1;
	s5 =	sadd.s32 s21, s3  }
0x9d: {  	[timem:s22], [sflag:s6] =	dma.local [hbm:s5], s4  }
0x9e: {  	_ =	swait.ge [sflag:s6], s4  }
0x9f: {  	s4 =	ssub.s32 $0x0, s4;
	[sflag:s6] =	ssyncset.done $0x0  }
0xa0: {  	[sflag:s6] =	ssyncadd.s32 s4;
	_ =	sdelay $0x1  }
0xa1: {  	s23 =	simm.s32 $0x1B8B  }
0xa2: {  	_ =	swait.ge [sflag:s23], $0x1  }
0xa3: {  	[sflag:s23] =	ssyncset.done $0x0  }
0xa4: {  	[sflag:s23] =	ssyncadd.s32 $0xFFFFFFFF  }
0xa5: {  	s4 =	sld [smem:$0x0]  }
0xa6: {  	s5 =	sand.u32 $0xFFFFFFFE, s1  }
0xa7: {  	p0 =	sne.s32 s1, s5  }
0xa8: {  	s5 =	sshll.u32 @p0 s5, $0xE  }
0xa9: {  	s5 =	sadd.s32 @p0 $0x11B8D, s5;
	s6 =	sshll.u32 @p0 s4, $0x11  }
0xaa: {  	s5 =	sor.u32 @p0 s6, s5  }
0xab: {  	[sflag:s5] =	ssyncadd.remote.s32 @p0 $0x1;
	_ =	sdelay $0x1  }
0xac: {  	s5 =	simm.s32 @p0 $0x1B8D  }
0xad: {  	_ =	swait.eq @p0 [sflag:s5], $0x1  }
0xae: {  	[sflag:s5] =	ssyncadd.s32 @p0 $0xFFFFFFFF  }
0xaf: {  	s6 =	sshll.u32 @!p0 s1, $0xE  }
0xb0: {  	s6 =	sor.u32 @!p0 $0x4000, s6;
	s5 =	simm.s32 @!p0 $0x1B8D  }
0xb1: {  	s4 =	sshll.u32 @!p0 s4, $0x11;
	s6 =	sadd.s32 @!p0 $0x11B8D, s6;
	_ =	swait.eq @!p0 [sflag:s5], $0x1  }
0xb2: {  	s4 =	sor.u32 @!p0 s4, s6;
	[sflag:s5] =	ssyncadd.s32 @!p0 $0xFFFFFFFF  }
0xb3: {  	s25 =	simm.s32 $0x1B8E;
	s24 =	sld [smem:$0x3FFE];
	[sflag:s4] =	ssyncadd.remote.s32 @!p0 $0x1  }
0xb4: {  	s26 =	simm.s32 $execute0_lowered;
	[smem:$0x3FD2] =	sst s25  }
0xb5: {  	s5 =	sshll.u32 s26, $0x1;
	_ =	strace $0x80000049;
	[dreg:$0x1] =	wrdreg $0xFFFFFFFF  }
0xb6: {  	s28 =	simm.s32 $_size_execute0_lowered;
	s3 =	sadd.s32 s3, s5;
	[dreg:$0x0] =	wrdreg $0x0  }
0xb7: {  	s5 =	sshll.u32 s28, $0x1;
	[dreg:$0x2] =	wrdreg s3  }
0xb8: {  	[dreg:$0x3] =	wrdreg s5  }
0xb9: {  	[dreg:$0x4] =	wrdreg $0xC0  }
0xba: {  	_ =	task [dreg:s22], $0x5FFFF  }
0xbb: {  	[dreg:$0x1] =	wrdreg $0xFFFFFFFF  }
0xbc: {  	[dreg:$0x0] =	wrdreg $0x60  }
0xbd: {  	[dreg:$0x2] =	wrdreg s24  }
0xbe: {  	[dreg:$0x3] =	wrdreg $0x9  }
0xbf: {  	_ =	task.clear_ibuf [dreg:s22], $0x4FFFF;
	_ =	strace $0x90000049  }
0xc0: {  	s29 =	simm.s32 $0x9;
	_ =	strace $0x8000004B  }
0xc1: {  	_ =	swait.ge [sflag:s29], $0x1  }
0xc2: {  	[sflag:s29] =	ssyncadd.s32 $0xFFFFFFFF  }
0xc3: {  	_ =	strace $0x9000004B  }
0xc4: {  	_ =	sfence  }
0xc5: {  	s30 =	sld [smem:$0x0];
	_ =	sdelay $0x2  }
0xc6: {  	s31 =	sshll.u32 s1, $0xD;
	s1 =	sshrl.u32 s1, $0x2  }
0xc7: {  	s4 =	sand.u32 $0x4000, s31;
	s1 =	sadd.s32 s1, s30  }
0xc8: {  	s0 =	sor.u32 s4, s0;
	s1 =	sshll.u32 s1, $0x11  }
0xc9: {  	s0 =	sor.u32 s1, s0  }
0xca: {  	s0 =	sadd.s32 $0x8F2B, s0  }
0xcb: {  	[sflag:s0] =	ssyncadd.remote.s32 $0x1  }
0xcc: {  	_ =	sfence.sel $0xFFFF  }
0xcd: {  	[dreg:$0x0] =	wrdreg $0xFFFFFFFF;
	(pc) =	sbr.abs _section_cstart, $3  }
0xce: {  	[dreg:$0x1] =	wrdreg $0xFFFFFFFF  }
0xcf: {  	_ =	task.clear_ibuf [dreg:s22], $0x2FFFF;
	_ =	strace $0x9FFFFFFF  }
0xd0: {  	(tm) =	ssettm $0x7FFFFFFF  }
0xd1: {  	_ =	shalt  }
tec
execute0_lowered:
.L_overlay_start_1:
0x0: {  	(tag) =	ssettag $0x1  }
0x1: {  	s3 =	rddreg [dreg:$0x0];
	s2 =	srdreg.scid  }
0x2: {  	s0 =	rddreg [dreg:$0x1];
	s1 =	stileid.u32  }
0x3: {  	s8 =	simm.s32 $0x1;
	s9 =	simm.s32 $0x2000;
	s10 =	simm.s32 $0x0  }
0x4: {  	s4 =	sand.u32 $0x1, s2;
	s2 =	simm.s32 $0x0;
	s5 =	sshll.u32 s1, $0xA  }
0x5: {  	s6 =	sshll.u32 s4, $0x9;
	[smem:$0x7FF] =	sst s2;
	s4 =	ssub.s32 $0x2, s4  }
0x6: {  	s5 =	sor.u32 s6, s5;
	_ =	strace $0x8000004A;
	s31 =	sshrl.u32 s4, $0x1  }
0x7: {  	s6 =	sshrl.u32 s5, $0x3;
	s5 =	sadd.s32 s5, s3;
	s7 =	ssub.s32 s4, s31  }
0x8: {  	s6 =	sadd.s32 s6, s3;
	s3 =	sadd.s32 $0x9800, s5;
	s5 =	smax.u32 s7, $0x1  }
0x9: {  	v0 =	vimm.f32 $0.0e+00;
	s7 =	simm.s32 $0x20000;
	s4 =	sadd.s32 $0x11800, s6;
	s6 =	simm.s32 $0x1000  }
.LBB2_1:
0xa: {  	[tilespmem:s2], [sflag:$0x1] =	stream.strided.gather [hbm4b:s3+s6], $0x2000, s7, s6, $0x38;
	[tilespmem:$0x2200] =	vst v63  }
0xb: {  	_ =	swait.ge [sflag:s8], $0x2000  }
0xc: {  	s11 =	sand.u32 $0x70, s2;
	s12 =	sand.u32 $0xC00, s2;
	[sflag:s8] =	ssyncset.done $0x0  }
0xd: {  	s11 =	sor.u32 s11, s12;
	[sflag:s8] =	ssyncadd.s32 $0xFFFFE000  }
0xe: {  	v8 =	vld [tilespmem:s11+$0x100]  }
0xf: {  	v1 =	vld [tilespmem:s11+$0x0]  }
0x10: {  	v2 =	vld [tilespmem:s11+$0x80]  }
0x11: {  	v9 =	vld [tilespmem:s11+$0x280]  }
0x12: {  	v3 =	vld [tilespmem:s11+$0x180]  }
0x13: {  	v4 =	vld [tilespmem:s11+$0x1000]  }
0x14: {  	v20 =	vld [tilespmem:s11+$0x1080]  }
0x15: {  	v10 =	vld [tilespmem:s11+$0x200]  }
0x16: {  	v11 =	vld [tilespmem:s11+$0x300]  }
0x17: {  	v12 =	vld [tilespmem:s11+$0x380];
	v5 =	vmax.f32 v1, v2  }
0x18: {  	v50 =	vld [tilespmem:s11+$0x1180];
	v4 =	vsub.f32 $0.0e+00, v4;
	v5 =	vmax.f32 v5, v8  }
0x19: {  	v20 =	vsub.f32 $0.0e+00, v20;
	v5 =	vmax.f32 v5, v3  }
0x1a: {  	v6 =	vmul.f32 $1.442695020e+00, v4;
	v5 =	vmax.f32 v5, v10  }
0x1b: {  	v20 =	vmul.f32 $1.442695020e+00, v20;
	v5 =	vmax.f32 v5, v9  }
0x1c: {  	(erf) = vpow2.f32 v6;
	v5 =	vmax.f32 v5, v11  }
0x1d: {  	v52 =	vsub.f32 $0.0e+00, v50;
	(erf) = vpow2.f32 v20;
	v13 =	vmax.f32 v5, v12  }
0x1e: {  	vm0 =	veq.f32 v1, v13;
	vm1 =	veq.f32 v2, v13;
	v14 =	vsub.f32 v1, v13  }
0x1f: {  	v7 =	vsub.f32 v2, v13;
	vm2 =	veq.f32 v10, v13;
	v51 =	vsub.f32 v3, v13  }
0x20: {  	v5 =	vsel vm0, $0x3F800000, v0;
	v4 =	vsel vm1, $0x3F800000, v0;
	vm0 =	veq.f32 v12, v13  }
0x21: {  	v26 =	vld [tilespmem:s11+$0x1100];
	vm1 =	veq.f32 v3, v13;
	v21 =	vsel vm2, $0x3F800000, v0;
	vm2 =	veq.f32 v9, v13  }
0x22: {  	v15 =	vmax.f32 v5, v4;
	v16 =	vsub.f32 $1.000000000e+00, v5;
	v18 =	vmul.f32 $1.442695020e+00, v7  }
0x23: {  	v7 =	vsel vm1, $0x3F800000, v0;
	vm1 =	veq.f32 v11, v13;
	v14 =	vmul.f32 $1.442695020e+00, v14  }
0x24: {  	v17 =	vsub.f32 $1.000000000e+00, v15;
	v19 =	vsel vm1, $0x3F800000, v0;
	vm1 =	veq.f32 v8, v13  }
0x25: {  	v4 =	vmul.f32 v16, v4;
	v16 =	vmul.f32 $3.000000010e+38, v5;
	v22 =	vsel vm1, $0x3F800000, v0  }
0x26: {  	(erf) = vpow2.f32 v14;
	v14 =	vsub.f32 $0.0e+00, v26;
	v26 =	vmul.f32 $1.442695020e+00, v51  }
0x27: {  	v15 =	vmax.f32 v15, v22;
	v16 =	vsub.f32 v1, v16;
	v1 =	vmul.f32 $3.000000010e+38, v4  }
0x28: {  	v17 =	vmul.f32 v17, v22;
	v6 =	vsub.f32 $1.000000000e+00, v15;
	v15 =	vmax.f32 v15, v7;
	v29 =	vpop (erf)  }
0x29: {  	v14 =	vmul.f32 $1.442695020e+00, v14;
	v29 =	vadd.f32 $1.000000000e+00, v29;
	v22 =	vsub.f32 v2, v1  }
0x2a: {  	v1 =	vsub.f32 $1.000000000e+00, v15;
	v2 =	vmax.f32 v15, v21;
	v15 =	vmul.f32 $3.000000010e+38, v17  }
0x2b: {  	v27 =	vsel vm0, $0x3F800000, v0;
	v7 =	vmul.f32 v6, v7;
	(erf) = vrcp.f32 v29  }
0x2c: {  	v23 =	vmax.f32 v16, v22;
	v6 =	vmul.f32 v1, v21;
	v1 =	vsub.f32 $1.000000000e+00, v2  }
0x2d: {  	v21 =	vsel vm2, $0x3F800000, v0;
	v24 =	vmul.f32 $3.000000010e+38, v7;
	(erf) = vpow2.f32 v14  }
0x2e: {  	v15 =	vsub.f32 v8, v15;
	v8 =	vsub.f32 v8, v13;
	(erf) = vpow2.f32 v26  }
0x2f: {  	v2 =	vmax.f32 v2, v21;
	v1 =	vmul.f32 v1, v21;
	v25 =	vmul.f32 $3.000000010e+38, v6  }
0x30: {  	v21 =	vsub.f32 v3, v24;
	v23 =	vmax.f32 v23, v15;
	v28 =	vmax.f32 v2, v19  }
0x31: {  	v2 =	vsub.f32 $1.000000000e+00, v2;
	v8 =	vmul.f32 $1.442695020e+00, v8;
	v24 =	vmul.f32 $1.442695020e+00, v52  }
0x32: {  	v28 =	vsub.f32 $1.000000000e+00, v28;
	v20 =	vsub.f32 v10, v25;
	v49 =	vmul.f32 $3.000000010e+38, v1  }
0x33: {  	v54 =	vld [tilespmem:s11+$0x1200];
	v23 =	vmax.f32 v23, v21;
	v3 =	vmul.f32 v2, v19;
	(erf) = vpow2.f32 v8  }
0x34: {  	v10 =	vsub.f32 v10, v13;
	v2 =	vmul.f32 v28, v27;
	(erf) = vpow2.f32 v24  }
0x35: {  	v55 =	vpop (erf);
	v19 =	vsub.f32 v9, v49;
	v56 =	vmul.f32 $3.000000010e+38, v3;
	v9 =	vsub.f32 v9, v13  }
0x36: {  	v8 =	vadd.f32 $1.000000000e+00, v55;
	v10 =	vmul.f32 $1.442695020e+00, v10;
	(erf) = vpow2.f32 v18  }
0x37: {  	v23 =	vmax.f32 v23, v20;
	v53 =	vmul.f32 $3.000000010e+38, v2;
	v9 =	vmul.f32 $1.442695020e+00, v9  }
0x38: {  	v18 =	vsub.f32 $0.0e+00, v54;
	v23 =	vmax.f32 v23, v19;
	v57 =	vsub.f32 v11, v56  }
0x39: {  	v11 =	vsub.f32 v11, v13;
	(erf) = vpow2.f32 v10;
	v14 =	vsub.f32 v12, v53  }
0x3a: {  	v18 =	vmul.f32 $1.442695020e+00, v18;
	v12 =	vsub.f32 v12, v13;
	v23 =	vmax.f32 v23, v57  }
0x3b: {  	(erf) = vpow2.f32 v9;
	v11 =	vmul.f32 $1.442695020e+00, v11;
	v13 =	vmax.f32 v23, v14;
	v9 =	vpop (erf)  }
0x3c: {  	v10 =	vld [tilespmem:s11+$0x1280];
	v12 =	vmul.f32 $1.442695020e+00, v12;
	(erf) = vrcp.f32 v8;
	vm0 =	veq.f32 v22, v13;
	v8 =	vpop (erf)  }
0x3d: {  	vm2 =	veq.f32 v21, v13;
	v21 =	vsel vm0, $0x3F800000, v0;
	vm0 =	veq.f32 v15, v13;
	v15 =	vpop (erf)  }
0x3e: {  	vm1 =	veq.f32 v57, v13;
	(erf) = vpow2.f32 v12;
	v12 =	vld [tilespmem:s11+$0x1300];
	v15 =	vadd.f32 $1.000000000e+00, v15  }
0x3f: {  	vm3 =	veq.f32 v19, v13;
	v22 =	vsel vm0, $0x3F800000, v0;
	vm0 =	veq.f32 v16, v13  }
0x40: {  	v19 =	vsel vm2, $0x3F800000, v0;
	vm2 =	veq.f32 v20, v13;
	v23 =	vsel vm0, $0x3F800000, v0  }
0x41: {  	v16 =	vsub.f32 $0.0e+00, v10;
	vm0 =	veq.f32 v14, v13;
	v58 =	vpop (erf);
	v14 =	vmax.f32 v23, v21  }
0x42: {  	v20 =	vsub.f32 $1.000000000e+00, v23;
	(erf) = vrcp.f32 v15;
	v13 =	vsub.f32 $1.000000000e+00, v14;
	v15 =	vpop (erf)  }
0x43: {  	v5 =	vadd.f32 v23, v5;
	(erf) = vpow2.f32 v11;
	v12 =	vsub.f32 $0.0e+00, v12;
	v11 =	vpop (erf)  }
0x44: {  	v16 =	vmul.f32 $1.442695020e+00, v16;
	(erf) = vpow2.f32 v18;
	v11 =	vadd.f32 $1.000000000e+00, v11  }
0x45: {  	v14 =	vmax.f32 v14, v22;
	v5 =	vmul.f32 v5, v9;
	v20 =	vmul.f32 v20, v21  }
0x46: {  	v23 =	vld [tilespmem:s11+$0x1380];
	v21 =	vsub.f32 $1.000000000e+00, v14;
	v59 =	vmul.f32 v13, v22;
	v13 =	vpop (erf);
	(erf) = vrcp.f32 v11  }
0x47: {  	v14 =	vmax.f32 v14, v19;
	v22 =	vmul.f32 $1.442695020e+00, v12;
	v12 =	vpop (erf);
	(erf) = vpow2.f32 v16  }
0x48: {  	v10 =	vsel vm3, $0x3F800000, v0;
	v18 =	vsel vm2, $0x3F800000, v0;
	v61 =	vsub.f32 $1.000000000e+00, v14;
	v9 =	vpop (erf)  }
0x49: {  	v60 =	vmul.f32 v5, v8;
	v21 =	vmul.f32 v21, v19;
	v17 =	vadd.f32 v59, v17;
	v11 =	vpop (erf)  }
0x4a: {  	v19 =	vmax.f32 v14, v18;
	v16 =	vadd.f32 $0.0e+00, v5;
	v5 =	vpop (erf);
	(erf) = vpow2.f32 v22  }
0x4b: {  	v23 =	vsub.f32 $0.0e+00, v23;
	v26 =	vmul.f32 v61, v18;
	v8 =	vmul.f32 v17, v15;
	v15 =	vpop (erf)  }
0x4c: {  	v18 =	vmax.f32 v19, v10;
	v62 =	vadd.f32 v21, v7;
	v7 =	vadd.f32 $0.0e+00, v60;
	v14 =	vpop (erf)  }
0x4d: {  	s13 =	simm.s32 $0x0;
	v17 =	vsel vm1, $0x3F800000, v0;
	v21 =	vmul.f32 $1.442695020e+00, v23;
	v22 =	vadd.f32 v20, v4;
	v63 =	vpop (erf)  }
0x4e: {  	s14 =	simm.s32 $0x2000;
	s12 =	simm.s32 $0x10;
	s11 =	simm.s32 $0x2000;
	v4 =	vmul.f32 v62, v58;
	v20 =	vadd.f32 v26, v6;
	v6 =	vadd.f32 $1.000000000e+00, v63  }
.LBB2_2:
0x4f: {  	p0 =	sne.s32 s12, $0x1F0;
	v23 =	vsel vm0, $0x3F800000, v0;
	v13 =	vmul.f32 v22, v13;
	s13 =	sadd.s32 $0x80, s13;
	s14 =	sadd.s32 $0x10, s14;
	v22 =	vpop (erf);
	(erf) = vpow2.f32 v21  }
0x50: {  	v19 =	vsub.f32 $1.000000000e+00, v19;
	v21 =	vmax.f32 v18, v17;
	s15 =	smov.u32 s12;
	s12 =	sadd.s32 $0x10, s12;
	v12 =	vmul.f32 v20, v12;
	v20 =	vpop (erf)  }
0x51: {  	v18 =	vsub.f32 $1.000000000e+00, v18;
	v22 =	vmul.f32 v4, v22;
	v24 =	vadd.f32 v13, v16  }
0x52: {  	v10 =	vmul.f32 v19, v10;
	(erf) = vrcp.f32 v6  }
0x53: {  	v11 =	vmul.f32 v13, v11;
	v6 =	vmul.f32 v18, v17;
	v13 =	vadd.f32 v8, v24;
	v16 =	vpop (erf)  }
0x54: {  	v17 =	vsub.f32 $1.000000000e+00, v21;
	v8 =	vmul.f32 v8, v15;
	v15 =	vadd.f32 $1.000000000e+00, v20  }
0x55: {  	v7 =	vadd.f32 v11, v7;
	v1 =	vadd.f32 v10, v1  }
0x56: {  	v10 =	vmul.f32 v17, v23;
	v3 =	vadd.f32 v6, v3;
	(erf) = vrcp.f32 v15  }
0x57: {  	v6 =	vadd.f32 $1.000000000e+00, v16;
	v4 =	vadd.f32 v4, v13;
	v1 =	vmul.f32 v1, v9  }
0x58: {  	v7 =	vadd.f32 v8, v7;
	v3 =	vmul.f32 v3, v14;
	v2 =	vadd.f32 v10, v2;
	v8 =	vpop (erf)  }
0x59: {  	v4 =	vadd.f32 v12, v4;
	v8 =	vadd.f32 $1.000000000e+00, v8;
	(erf) = vrcp.f32 v6  }
0x5a: {  	v2 =	vmul.f32 v2, v5;
	v6 =	vadd.f32 v22, v7  }
0x5b: {  	v4 =	vadd.f32 v1, v4;
	v5 =	vpop (erf);
	(erf) = vrcp.f32 v8  }
0x5c: {  	v5 =	vmul.f32 v12, v5  }
0x5d: {  	v4 =	vadd.f32 v3, v4;
	_ =	sdelay $0x1  }
0x5e: {  	v8 =	vadd.f32 v2, v4;
	v7 =	vpop (erf)  }
0x5f: {  	v1 =	vmul.f32 v1, v7  }
0x60: {  	v5 =	vadd.f32 v5, v6;
	(erf) = vrcp.f32 v8  }
0x61: {  	v4 =	vpop (erf)  }
0x62: {  	v1 =	vadd.f32 v1, v5;
	v3 =	vmul.f32 v3, v4  }
0x63: {  	v4 =	vpop (erf)  }
0x64: {  	v1 =	vadd.f32 v3, v1;
	v2 =	vmul.f32 v2, v4;
	_ =	sdelay $0x1  }
0x65: {  	v1 =	vadd.f32 v2, v1;
	_ =	sdelay $0x2  }
0x66: {  	v2 =	vpop (erf)  }
0x67: {  	v1 =	vmul.f32 v2, v1;
	_ =	sdelay $0x1  }
0x68: {  	[tilespmem:s11+$0x0] =	vst v1;
	s11 =	smov.u32 s14;
	_ =	sdelay $0x1  }
0x69: {  	s15 =	sand.u32 $0x70, s15;
	s16 =	sand.u32 $0xC00, s13  }
0x6a: {  	s15 =	sor.u32 s15, s16  }
0x6b: {  	v13 =	vld [tilespmem:s15+$0x100]  }
0x6c: {  	v1 =	vld [tilespmem:s15+$0x0]  }
0x6d: {  	v2 =	vld [tilespmem:s15+$0x80]  }
0x6e: {  	v11 =	vld [tilespmem:s15+$0x280]  }
0x6f: {  	v3 =	vld [tilespmem:s15+$0x180]  }
0x70: {  	v14 =	vld [tilespmem:s15+$0x200]  }
0x71: {  	v4 =	vld [tilespmem:s15+$0x1000]  }
0x72: {  	v10 =	vld [tilespmem:s15+$0x300];
	v5 =	vmax.f32 v1, v2  }
0x73: {  	v9 =	vld [tilespmem:s15+$0x380];
	v5 =	vmax.f32 v5, v13  }
0x74: {  	v5 =	vmax.f32 v5, v3  }
0x75: {  	v5 =	vmax.f32 v5, v14  }
0x76: {  	v5 =	vmax.f32 v5, v11;
	v4 =	vsub.f32 $0.0e+00, v4  }
0x77: {  	v5 =	vmax.f32 v5, v10  }
0x78: {  	v12 =	vmax.f32 v5, v9;
	v6 =	vmul.f32 $1.442695020e+00, v4  }
0x79: {  	vm0 =	veq.f32 v1, v12;
	vm1 =	veq.f32 v2, v12;
	v15 =	vsub.f32 v1, v12  }
0x7a: {  	v7 =	vsub.f32 v2, v12;
	v5 =	vsel vm0, $0x3F800000, v0;
	v4 =	vsel vm1, $0x3F800000, v0  }
0x7b: {  	vm0 =	veq.f32 v9, v12;
	v8 =	vsub.f32 $1.000000000e+00, v5;
	v16 =	vmax.f32 v5, v4  }
0x7c: {  	vm1 =	veq.f32 v3, v12;
	v18 =	vmul.f32 $1.442695020e+00, v7;
	v17 =	vsub.f32 $1.000000000e+00, v16  }
0x7d: {  	v7 =	vsel vm1, $0x3F800000, v0;
	vm1 =	veq.f32 v10, v12;
	v4 =	vmul.f32 v8, v4  }
0x7e: {  	vm2 =	veq.f32 v14, v12;
	v19 =	vsel vm1, $0x3F800000, v0;
	v8 =	vmul.f32 $3.000000010e+38, v5  }
0x7f: {  	v21 =	vsel vm2, $0x3F800000, v0;
	vm2 =	veq.f32 v11, v12;
	vm1 =	veq.f32 v13, v12;
	v20 =	vld [tilespmem:s15+$0x1080]  }
0x80: {  	v22 =	vsel vm1, $0x3F800000, v0;
	v23 =	vsub.f32 v1, v8;
	v1 =	vmul.f32 $3.000000010e+38, v4  }
0x81: {  	v16 =	vmax.f32 v16, v22;
	v8 =	vmul.f32 v17, v22;
	(erf) = vpow2.f32 v6  }
0x82: {  	v6 =	vsub.f32 $1.000000000e+00, v16;
	v16 =	vmax.f32 v16, v7;
	v17 =	vsub.f32 v2, v1  }
0x83: {  	v1 =	vsub.f32 $1.000000000e+00, v16;
	v2 =	vmax.f32 v16, v21;
	v16 =	vmul.f32 $3.000000010e+38, v8  }
0x84: {  	v7 =	vmul.f32 v6, v7;
	v22 =	vmax.f32 v23, v17;
	v20 =	vsub.f32 $0.0e+00, v20  }
0x85: {  	v6 =	vmul.f32 v1, v21;
	v1 =	vsub.f32 $1.000000000e+00, v2;
	v16 =	vsub.f32 v13, v16  }
0x86: {  	v24 =	vsel vm2, $0x3F800000, v0;
	v25 =	vmul.f32 $3.000000010e+38, v7;
	v21 =	vld [tilespmem:s15+$0x1100];
	v20 =	vmul.f32 $1.442695020e+00, v20  }
0x87: {  	v26 =	vsel vm0, $0x3F800000, v0;
	v1 =	vmul.f32 v1, v24;
	v27 =	vmul.f32 $3.000000010e+38, v6  }
0x88: {  	v2 =	vmax.f32 v2, v24;
	v24 =	vsub.f32 v3, v25;
	(erf) = vpow2.f32 v20  }
0x89: {  	v22 =	vmax.f32 v22, v16;
	v20 =	vsub.f32 v14, v27;
	v25 =	vmul.f32 $3.000000010e+38, v1  }
0x8a: {  	v15 =	vmul.f32 $1.442695020e+00, v15;
	v28 =	vmax.f32 v2, v19;
	v22 =	vmax.f32 v22, v24;
	v27 =	vld [tilespmem:s15+$0x1180];
	v29 =	vpop (erf)  }
0x8b: {  	v2 =	vsub.f32 $1.000000000e+00, v2;
	v29 =	vadd.f32 $1.000000000e+00, v29  }
0x8c: {  	v28 =	vsub.f32 $1.000000000e+00, v28;
	v22 =	vmax.f32 v22, v20;
	(erf) = vpow2.f32 v15  }
0x8d: {  	v15 =	vsub.f32 $0.0e+00, v21;
	v21 =	vsub.f32 v3, v12;
	(erf) = vrcp.f32 v29  }
0x8e: {  	v13 =	vsub.f32 v13, v12;
	v3 =	vmul.f32 v2, v19;
	v2 =	vmul.f32 v28, v26  }
0x8f: {  	v19 =	vsub.f32 v11, v25;
	v15 =	vmul.f32 $1.442695020e+00, v15;
	v25 =	vsub.f32 $0.0e+00, v27  }
0x90: {  	v14 =	vsub.f32 v14, v12;
	v26 =	vmul.f32 $3.000000010e+38, v2;
	v21 =	vmul.f32 $1.442695020e+00, v21  }
0x91: {  	v13 =	vmul.f32 $1.442695020e+00, v13;
	v22 =	vmax.f32 v22, v19;
	v27 =	vld [tilespmem:s15+$0x1200];
	v28 =	vpop (erf);
	(erf) = vpow2.f32 v15  }
0x92: {  	v15 =	vsub.f32 v9, v26;
	v25 =	vmul.f32 $1.442695020e+00, v25;
	(erf) = vpow2.f32 v21  }
0x93: {  	v11 =	vsub.f32 v11, v12;
	v21 =	vmul.f32 $3.000000010e+38, v3;
	(erf) = vpow2.f32 v13  }
0x94: {  	v14 =	vmul.f32 $1.442695020e+00, v14;
	v13 =	vadd.f32 $1.000000000e+00, v28;
	(erf) = vpow2.f32 v25  }
0x95: {  	v11 =	vmul.f32 $1.442695020e+00, v11;
	v21 =	vsub.f32 v10, v21;
	v25 =	vld [tilespmem:s15+$0x1280];
	v26 =	vpop (erf);
	(erf) = vpow2.f32 v18  }
0x96: {  	v10 =	vsub.f32 v10, v12;
	v18 =	vsub.f32 $0.0e+00, v27;
	v27 =	vpop (erf);
	(erf) = vpow2.f32 v14  }
0x97: {  	v9 =	vsub.f32 v9, v12;
	v14 =	vmax.f32 v22, v21;
	(erf) = vpow2.f32 v11  }
0x98: {  	v11 =	vmax.f32 v14, v15;
	v14 =	vmul.f32 $1.442695020e+00, v18;
	(erf) = vrcp.f32 v13  }
0x99: {  	v9 =	vmul.f32 $1.442695020e+00, v9;
	vm0 =	veq.f32 v17, v11;
	vm2 =	veq.f32 v24, v11  }
0x9a: {  	v10 =	vmul.f32 $1.442695020e+00, v10;
	v17 =	vsel vm0, $0x3F800000, v0;
	vm0 =	veq.f32 v16, v11;
	v12 =	vpop (erf)  }
0x9b: {  	v16 =	vsel vm0, $0x3F800000, v0;
	v12 =	vadd.f32 $1.000000000e+00, v12;
	v24 =	vpop (erf);
	(erf) = vpow2.f32 v9  }
0x9c: {  	vm1 =	veq.f32 v21, v11;
	vm0 =	veq.f32 v23, v11;
	v9 =	vsub.f32 $0.0e+00, v25;
	v18 =	vld [tilespmem:s15+$0x1300];
	v21 =	vpop (erf)  }
0x9d: {  	v22 =	vsel vm0, $0x3F800000, v0;
	vm0 =	veq.f32 v15, v11;
	(erf) = vrcp.f32 v12;
	v15 =	vpop (erf)  }
0x9e: {  	vm3 =	veq.f32 v19, v11;
	v19 =	vmax.f32 v22, v17;
	v13 =	vpop (erf);
	(erf) = vpow2.f32 v10  }
0x9f: {  	v23 =	vsel vm2, $0x3F800000, v0;
	vm2 =	veq.f32 v20, v11;
	v12 =	vpop (erf);
	(erf) = vpow2.f32 v14  }
0xa0: {  	v20 =	vmul.f32 $1.442695020e+00, v9;
	v10 =	vsel vm3, $0x3F800000, v0;
	v14 =	vsub.f32 $1.000000000e+00, v19;
	v9 =	vpop (erf)  }
0xa1: {  	v25 =	vsel vm2, $0x3F800000, v0;
	v15 =	vadd.f32 $1.000000000e+00, v15;
	v18 =	vsub.f32 $0.0e+00, v18;
	v11 =	vpop (erf)  }
0xa2: {  	v29 =	vsub.f32 $1.000000000e+00, v22;
	v22 =	vadd.f32 v22, v5;
	v14 =	vmul.f32 v14, v16;
	v28 =	vld [tilespmem:s15+$0x1380]  }
0xa3: {  	v16 =	vmax.f32 v19, v16;
	v18 =	vmul.f32 $1.442695020e+00, v18;
	(erf) = vrcp.f32 v15  }
0xa4: {  	v26 =	vmul.f32 v22, v26;
	v8 =	vadd.f32 v14, v8;
	(erf) = vpow2.f32 v20;
	v5 =	vpop (erf)  }
0xa5: {  	v19 =	vmax.f32 v16, v23;
	v20 =	vmul.f32 v29, v17;
	v17 =	vsub.f32 $1.000000000e+00, v16  }
0xa6: {  	v22 =	vmul.f32 v26, v27;
	v16 =	vadd.f32 $0.0e+00, v26;
	v8 =	vmul.f32 v8, v21;
	v15 =	vpop (erf)  }
.Ltmp0:
0xa7: {  	v21 =	vmul.f32 v17, v23;
	v23 =	vsub.f32 $1.000000000e+00, v19;
	v14 =	vpop (erf);
	(erf) = vpow2.f32 v18;
	(pc) =	sbr.rel @p0 .LBB2_2-.Ltmp0, $4  }
0xa8: {  	v17 =	vsel vm1, $0x3F800000, v0;
	v19 =	vmax.f32 v19, v25;
	v26 =	vsub.f32 $0.0e+00, v28;
	v27 =	vpop (erf)  }
0xa9: {  	v18 =	vmax.f32 v19, v10;
	v23 =	vmul.f32 v23, v25;
	v25 =	vadd.f32 v21, v7  }
0xaa: {  	v7 =	vadd.f32 $0.0e+00, v22;
	v22 =	vadd.f32 v20, v4;
	v21 =	vmul.f32 $1.442695020e+00, v26  }
0xab: {  	v4 =	vmul.f32 v25, v24;
	v20 =	vadd.f32 v23, v6;
	v6 =	vadd.f32 $1.000000000e+00, v27  }
0xac: {  	(erf) = vpow2.f32 v21  }
0xad: {  	v13 =	vmul.f32 v22, v13;
	_ =	sdelay $0x1  }
0xae: {  	v19 =	vsub.f32 $1.000000000e+00, v19;
	v16 =	vadd.f32 v13, v16  }
0xaf: {  	v42 =	vsel vm0, $0x3F800000, v0;
	v43 =	vpop (erf);
	v23 =	vmax.f32 v18, v17;
	v44 =	vsub.f32 $1.000000000e+00, v18  }
0xb0: {  	v12 =	vmul.f32 v20, v12;
	v45 =	vpop (erf);
	v10 =	vmul.f32 v19, v10;
	v16 =	vadd.f32 v8, v16  }
0xb1: {  	v47 =	vsub.f32 $1.000000000e+00, v23;
	v46 =	vmul.f32 v44, v17;
	v48 =	vadd.f32 $1.000000000e+00, v45  }
0xb2: {  	(erf) = vrcp.f32 v6;
	v1 =	vadd.f32 v10, v1;
	v49 =	vadd.f32 v4, v16  }
0xb3: {  	v51 =	vmul.f32 v47, v42;
	v50 =	vpop (erf);
	v3 =	vadd.f32 v46, v3;
	(erf) = vrcp.f32 v48  }
0xb4: {  	v52 =	vadd.f32 $1.000000000e+00, v50;
	v1 =	vmul.f32 v1, v9;
	v6 =	vadd.f32 v12, v49;
	v54 =	vpop (erf)  }
0xb5: {  	v53 =	vmul.f32 v13, v11;
	v2 =	vadd.f32 v51, v2;
	v11 =	vadd.f32 $1.000000000e+00, v54  }
0xb6: {  	v3 =	vmul.f32 v3, v14;
	(erf) = vrcp.f32 v52;
	v6 =	vadd.f32 v1, v6  }
0xb7: {  	v55 =	vmul.f32 v8, v15;
	(erf) = vrcp.f32 v11  }
0xb8: {  	v7 =	vadd.f32 v53, v7;
	v2 =	vmul.f32 v2, v5;
	v56 =	vadd.f32 v3, v6;
	_ =	sdelay $0x1  }
0xb9: {  	v57 =	vmul.f32 v4, v43;
	v58 =	vadd.f32 v55, v7;
	v5 =	vadd.f32 v2, v56  }
0xba: {  	v59 =	vpop (erf)  }
0xbb: {  	v4 =	vadd.f32 v57, v58;
	v60 =	vmul.f32 v12, v59;
	(erf) = vrcp.f32 v5  }
0xbc: {  	v61 =	vpop (erf)  }
0xbd: {  	v4 =	vadd.f32 v60, v4;
	v1 =	vmul.f32 v1, v61  }
0xbe: {  	v62 =	vpop (erf)  }
0xbf: {  	v1 =	vadd.f32 v1, v4;
	v3 =	vmul.f32 v3, v62;
	v63 =	vpop (erf)  }
0xc0: {  	v2 =	vmul.f32 v2, v63  }
0xc1: {  	v1 =	vadd.f32 v3, v1;
	_ =	sdelay $0x1  }
0xc2: {  	v1 =	vadd.f32 v2, v1  }
0xc3: {  	v2 =	vpop (erf)  }
0xc4: {  	s10 =	sadd.s32 $0x1, s10;
	v1 =	vmul.f32 v2, v1  }
0xc5: {  	p0 =	sne.s32 s10, s5  }
.Ltmp1:
0xc6: {  	[tilespmem:s11+$0x0] =	vst v1;
	(pc) =	sbr.rel @p0 .LBB2_1-.Ltmp1, $4  }
0xc7: {  	[hbm4b:s4+s2] =	stream.linear.scatter [tilespmem:s9], [sflag:$0x1], $0x200, $0x38;
	[tilespmem:$0x2200] =	vst v63  }
0xc8: {  	_ =	swait.ge [sflag:s8], $0x200  }
0xc9: {  	[sflag:s8] =	ssyncset.done $0x0  }
0xca: {  	[sflag:s8] =	ssyncadd.s32 $0xFFFFFE00  }
0xcb: {  	_ =	sfence.sel $0x180000  }
0xcc: {  	[bflag:$0x0] =	sbarrier.arrive $0xFFFF  }
0xcd: {  	p0 =	sne.s32 s1, $0x0;
	_ =	strace $0x9000004A  }
0xce: {  	s0 =	sadd.s32 @!p0 $0x100000, s0;
	[bflag:$0x2] =	sbarrier.arrive $0xFFFF  }
0xcf: {  	[sflag:s0] =	ssyncadd.tile.s32 @!p0 $0x1;
	_ =	shalt  }
.Lfunc_end2:
_tile_overlayer_lowered:
.L_overlay_start_2:
0xd0: {  	(tag) =	ssettag $0x2  }
0xd1: {  	s0 =	rddreg [dreg:$0x0];
	s2 =	stileid.u32  }
0xd2: {  	s1 =	rddreg [dreg:$0x1];
	p0 =	sne.s32 s2, $0x0  }
0xd3: {  	s3 =	rddreg [dreg:$0x2];
	[bflag:$0x3] =	sbarrier.arrive $0xFFFF;
	s2 =	simm.s32 @!p0 $0x1C01  }
0xd4: {  	[timem:s3], [sflag:s2] =	dma.local @!p0 [hbm:s0], s1  }
0xd5: {  	s0 =	simm.s32 @!p0 $0x1  }
0xd6: {  	_ =	swait.ge @!p0 [sflag:s0], s1  }
0xd7: {  	s1 =	ssub.s32 @!p0 $0x0, s1;
	[sflag:s0] =	ssyncset.done @!p0 $0x0  }
0xd8: {  	[sflag:s0] =	ssyncadd.s32 @!p0 s1  }
0xd9: {  	[bflag:$0x3] =	sbarrier.arrive $0xFFFF  }
0xda: {  	_ =	shalt  }

// kernel: kernel.9.cloned.1.call-start
scs
__scs_entry_jumppad:
0x0: {  	(pc) =	sbr.rel $0x88, $3  }
0x1: {  	(tag) =	ssettag $0x0;
	lr =	simm.s32 $0x1  }
0x2: {  	[smem:$0x3F9C] =	sst lr;
	_ =	strace $0xD0000000  }
0x3: {  	_ = 	snop  }
0x4: {  	_ = 	snop  }
0x5: {  	_ = 	snop  }
0x6: {  	_ = 	snop  }
0x7: {  	_ = 	snop  }
__scs_overlays_trampoline_lowered:
0x8: {  	[smem:$0x3FAB] =	sst s0  }
0x9: {  	[smem:$0x3FAC] =	sst s1  }
0xa: {  	[smem:$0x3FAD] =	sst s2  }
0xb: {  	[smem:$0x3FAE] =	sst s3  }
0xc: {  	[smem:$0x3FAF] =	sst s4  }
0xd: {  	[smem:$0x3FB0] =	sst s5  }
0xe: {  	[smem:$0x3FB1] =	sst s6  }
0xf: {  	[smem:$0x3FB2] =	sst s7  }
0x10: {  	[smem:$0x3FB3] =	sst s8  }
0x11: {  	[smem:$0x3FB4] =	sst s9;
	s0 =	simm.s32 @!p0 $0x0  }
0x12: {  	s1 =	sld [smem:$0x3F9A];
	s0 =	simm.s32 @p0 $0x1  }
0x13: {  	[smem:$0x3FB5] =	sst s0;
	s0 =	simm.s32 @!p1 $0x0  }
0x14: {  	s2 =	sld [smem:$0x3F99];
	s0 =	simm.s32 @p1 $0x1  }
0x15: {  	[smem:$0x3FB6] =	sst s0;
	s0 =	simm.s32 @!p2 $0x0  }
0x16: {  	s3 =	sld [smem:$0x3FDB];
	s0 =	simm.s32 @p2 $0x1  }
0x17: {  	s4 =	simm.s32 $0x1BF5;
	[smem:$0x3FB8] =	sst s0  }
0x18: {  	s0 =	sld [smem:$0x3F9B];
	_ =	swait.ge [sflag:s4], $0x0  }
0x19: {  	s7 =	sld [smem:$0x3F9C]  }
0x1a: {  	s8 =	sadd.s32 $0xFFFFE003, lr  }
0x1b: {  	s9 =	sadd.s32 $0xFFFFFEF7, lr;
	s5 =	simm.s32 $0xFFFFFFFF;
	p2 =	slt.u32 s8, $0xFFFFF086  }
0x1c: {  	p1 =	slt.u32 s9, $0xF7A;
	s5 =	simm.s32 @!p2 $0x0  }
0x1d: {  	s5 =	simm.s32 @p1 $0x1;
	p0 =	seq.s32 s7, s2  }
0x1e: {  	s7 =	smul.u32 @!p0 $0xF7A, s2;
	p2 =	seq.s32 @!p0 s5, $0x0  }
0x1f: {  	s9 =	smul.u32 $0xF7A, s1;
	s8 =	simm.s32 @!p0 $0x1BF5;
	p2 =	por !p2, p0  }
0x20: {  	[sflag:s8] =	ssyncset.s32 @!p0 $0xFFFFF086;
	s6 =	sadd.s32 @!p0 s3, s7;
	s7 =	simm.s32 @!p0 $0x108  }
0x21: {  	s3 =	sadd.s32 s3, s9;
	s6 =	sadd.s32 @!p0 $0x88, s6;
	s7 =	simm.s32 @p2 $0x1082  }
0x22: {  	[simem:s7], [sflag:s8] =	dma.local @!p0 [hbm:s6], $0xF7A  }
0x23: {  	s9 =	sor.u32 $0xD0000000, s2;
	s6 =	simm.s32 $0x108;
	_ =	swait.ge @!p0 [sflag:s8], $0x0  }
0x24: {  	s3 =	sadd.s32 $0x88, s3;
	s6 =	simm.s32 @!p1 $0x1082;
	[sflag:s4] =	ssyncset.s32 $0xFFFFF086  }
0x25: {  	[simem:s6], [sflag:s4] =	dma.local [hbm:s3], $0xF7A  }
0x26: {  	[smem:$0x3F9C] =	sst s1;
	(tag) =	ssettag s2;
	_ =	strace s9  }
0x27: {  	s1 =	sld [smem:$0x3FAC]  }
0x28: {  	s2 =	sld [smem:$0x3FAD]  }
0x29: {  	s4 =	sld [smem:$0x3FAF]  }
0x2a: {  	p0 =	seq.s32 s5, $0x0;
	s5 =	sld [smem:$0x3FB0]  }
0x2b: {  	s6 =	sld [smem:$0x3FB1]  }
0x2c: {  	s7 =	sld [smem:$0x3FB2]  }
0x2d: {  	s3 =	simm.s32 $0x108;
	s8 =	sld [smem:$0x3FB3]  }
0x2e: {  	s3 =	simm.s32 @!p0 $0x1082;
	s9 =	sld [smem:$0x3FB4]  }
0x2f: {  	lr =	sadd.s32 s0, s3;
	s0 =	sld [smem:$0x3FAB]  }
0x30: {  	s3 =	sld [smem:$0x3FAE]  }
0x31: {  	[smem:$0x3FB7] =	sst s10  }
0x32: {  	s10 =	sld [smem:$0x3FB5];
	_ =	sdelay $0x3  }
0x33: {  	p0 =	seq.s32 s10, $0x1;
	s10 =	sld [smem:$0x3FB7];
	_ =	sdelay $0x3  }
0x34: {  	[smem:$0x3FB7] =	sst s10  }
0x35: {  	s10 =	sld [smem:$0x3FB6];
	_ =	sdelay $0x3  }
0x36: {  	p1 =	seq.s32 s10, $0x1;
	s10 =	sld [smem:$0x3FB7];
	_ =	sdelay $0x3  }
0x37: {  	[smem:$0x3FB7] =	sst s10  }
0x38: {  	s10 =	sld [smem:$0x3FB8]  }
0x39: {  	_ = 	snop;
	(pc) =	sbr.ind lr, $3  }
0x3a: {  	_ = 	snop  }
0x3b: {  	_ = 	snop  }
0x3c: {  	p2 =	seq.s32 s10, $0x1;
	s10 =	sld [smem:$0x3FB7]  }
0x3d: {  	_ =	shalt  }
0x3e: {  	_ =	shalt  }
0x3f: {  	_ =	shalt  }
0x40: {  	_ =	shalt  }
0x41: {  	_ =	shalt  }
0x42: {  	_ =	shalt  }
0x43: {  	_ =	shalt  }
0x44: {  	_ =	shalt  }
0x45: {  	_ =	shalt  }
0x46: {  	_ =	shalt  }
0x47: {  	_ =	shalt  }
0x48: {  	_ =	shalt  }
0x49: {  	_ =	shalt  }
0x4a: {  	_ =	shalt  }
0x4b: {  	_ =	shalt  }
0x4c: {  	_ =	shalt  }
0x4d: {  	_ =	shalt  }
0x4e: {  	_ =	shalt  }
0x4f: {  	_ =	shalt  }
0x50: {  	_ =	shalt  }
0x51: {  	_ =	shalt  }
0x52: {  	_ =	shalt  }
0x53: {  	_ =	shalt  }
0x54: {  	_ =	shalt  }
0x55: {  	_ =	shalt  }
0x56: {  	_ =	shalt  }
0x57: {  	_ =	shalt  }
0x58: {  	_ =	shalt  }
0x59: {  	_ =	shalt  }
0x5a: {  	_ =	shalt  }
0x5b: {  	_ =	shalt  }
0x5c: {  	_ =	shalt  }
0x5d: {  	_ =	shalt  }
0x5e: {  	_ =	shalt  }
0x5f: {  	_ =	shalt  }
0x60: {  	_ =	shalt  }
0x61: {  	_ =	shalt  }
0x62: {  	_ =	shalt  }
0x63: {  	_ =	shalt  }
0x64: {  	_ =	shalt  }
0x65: {  	_ =	shalt  }
0x66: {  	_ =	shalt  }
0x67: {  	_ =	shalt  }
0x68: {  	_ =	shalt  }
0x69: {  	_ =	shalt  }
0x6a: {  	_ =	shalt  }
0x6b: {  	_ =	shalt  }
0x6c: {  	_ =	shalt  }
0x6d: {  	_ =	shalt  }
0x6e: {  	_ =	shalt  }
0x6f: {  	_ =	shalt  }
0x70: {  	_ =	shalt  }
0x71: {  	_ =	shalt  }
0x72: {  	_ =	shalt  }
0x73: {  	_ =	shalt  }
0x74: {  	_ =	shalt  }
0x75: {  	_ =	shalt  }
0x76: {  	_ =	shalt  }
0x77: {  	_ =	shalt  }
0x78: {  	_ =	shalt  }
0x79: {  	_ =	shalt  }
0x7a: {  	_ =	shalt  }
0x7b: {  	_ =	shalt  }
0x7c: {  	_ =	shalt  }
0x7d: {  	_ =	shalt  }
0x7e: {  	_ =	shalt  }
0x7f: {  	_ =	shalt  }
0x80: {  	_ =	shalt  }
0x81: {  	_ =	shalt  }
0x82: {  	_ =	shalt  }
0x83: {  	_ =	shalt  }
0x84: {  	_ =	shalt  }
0x85: {  	_ =	shalt  }
0x86: {  	_ =	shalt  }
0x87: {  	_ =	shalt  }
.Lfunc_end0:
.L_simem_size_0:
called_computation.1_lowered:
.L_overlay_start_0:
0x88: {  	s2 =	sld [smem:$0x3FD9]  }
0x89: {  	s3 =	sld [smem:$0x3FFE];
	_ =	sdelay $0x1  }
0x8a: {  	s1 =	srdreg.scid  }
0x8b: {  	s0 =	sand.u32 $0x1, s1  }
0x8c: {  	s16 =	sshll.u32 s0, $0xA;
	s2 =	sadd.s32 s3, s2  }
0x8d: {  	s2 =	sadd.s32 s2, s16  }
0x8e: {  	[smem:$0x3FC3] =	sst s2  }
0x8f: {  	_ = 	snop  }
0x90: {  	(tm) =	ssettm $0x1  }
0x91: {  	s17 =	sld [smem:$0x3FFB];
	_ =	sdelay $0x3  }
0x92: {  	_ =	strace s17  }
0x93: {  	s2 =	sld [smem:$0x3FFC];
	_ =	sdelay $0x3  }
0x94: {  	_ =	strace s2  }
0x95: {  	s2 =	sld [smem:$0x3FFD];
	_ =	sdelay $0x3  }
0x96: {  	_ =	strace s2  }
0x97: {  	_ =	strace $0x8FFFFFFF  }
0x98: {  	s18 =	sld [smem:$0x3FDB];
	_ =	sdelay $0x1  }
0x99: {  	s19 =	simm.s32 $_scs_section_size  }
0x9a: {  	s4 =	simm.s32 $_size__tile_overlayer_lowered;
	s5 =	simm.s32 $_tile_overlayer_lowered  }
0x9b: {  	s22 =	simm.s32 $0x1BFF;
	s21 =	sshll.u32 s5, $0x1;
	s2 =	sadd.s32 s19, s18  }
0x9c: {  	s6 =	simm.s32 $0x0;
	s20 =	sshll.u32 s4, $0x1;
	s4 =	sadd.s32 s21, s2  }
0x9d: {  	[timem:s6], [sflag:s22] =	dma.local [hbm:s4], s20  }
0x9e: {  	_ =	swait.ge [sflag:s22], s20  }
0x9f: {  	s3 =	ssub.s32 $0x0, s20;
	[sflag:s22] =	ssyncset.done $0x0  }
0xa0: {  	[sflag:s22] =	ssyncadd.s32 s3;
	_ =	sdelay $0x1  }
0xa1: {  	s23 =	simm.s32 $0x1B8B  }
0xa2: {  	_ =	swait.ge [sflag:s23], $0x1  }
0xa3: {  	[sflag:s23] =	ssyncset.done $0x0  }
0xa4: {  	s25 =	simm.s32 $0x1B8E;
	s24 =	sld [smem:$0x3FFE];
	[sflag:s23] =	ssyncadd.s32 $0xFFFFFFFF  }
0xa5: {  	s26 =	simm.s32 $execute0_lowered;
	[smem:$0x3FD2] =	sst s25  }
0xa6: {  	s4 =	sshll.u32 s26, $0x1;
	_ =	strace $0x80000046;
	[dreg:$0x1] =	wrdreg $0xFFFFFFFF  }
0xa7: {  	s28 =	simm.s32 $_size_execute0_lowered;
	s2 =	sadd.s32 s2, s4;
	[dreg:$0x0] =	wrdreg $0x0  }
0xa8: {  	s4 =	sshll.u32 s28, $0x1;
	[dreg:$0x2] =	wrdreg s2  }
0xa9: {  	[dreg:$0x3] =	wrdreg s4  }
0xaa: {  	[dreg:$0x4] =	wrdreg $0xC0  }
0xab: {  	_ =	task [dreg:s6], $0x5FFFF  }
0xac: {  	[dreg:$0x1] =	wrdreg $0xFFFFFFFF  }
0xad: {  	[dreg:$0x0] =	wrdreg $0x60  }
0xae: {  	[dreg:$0x2] =	wrdreg s24  }
0xaf: {  	[dreg:$0x3] =	wrdreg $0xA  }
0xb0: {  	_ =	task.clear_ibuf [dreg:s6], $0x4FFFF;
	_ =	strace $0x90000046  }
0xb1: {  	s29 =	simm.s32 $0xA;
	_ =	strace $0x80000048  }
0xb2: {  	_ =	swait.ge [sflag:s29], $0x1  }
0xb3: {  	[sflag:s29] =	ssyncadd.s32 $0xFFFFFFFF  }
0xb4: {  	_ =	strace $0x90000048  }
0xb5: {  	_ =	sfence  }
0xb6: {  	s30 =	sld [smem:$0x0];
	_ =	sdelay $0x2  }
0xb7: {  	s31 =	sshll.u32 s1, $0xD;
	s1 =	sshrl.u32 s1, $0x2  }
0xb8: {  	s3 =	sand.u32 $0x4000, s31;
	s1 =	sadd.s32 s1, s30  }
0xb9: {  	s0 =	sor.u32 s3, s0;
	s1 =	sshll.u32 s1, $0x11  }
0xba: {  	s0 =	sor.u32 s1, s0  }
0xbb: {  	s0 =	sadd.s32 $0x8F2B, s0  }
0xbc: {  	[sflag:s0] =	ssyncadd.remote.s32 $0x1  }
0xbd: {  	_ =	sfence.sel $0xFFFF  }
0xbe: {  	[dreg:$0x0] =	wrdreg $0xFFFFFFFF;
	(pc) =	sbr.abs _section_cstart, $3  }
0xbf: {  	[dreg:$0x1] =	wrdreg $0xFFFFFFFF  }
0xc0: {  	_ =	task.clear_ibuf [dreg:s6], $0x2FFFF;
	_ =	strace $0x9FFFFFFF  }
0xc1: {  	(tm) =	ssettm $0x7FFFFFFF  }
tec
execute0_lowered:
.L_overlay_start_1:
0x0: {  	(tag) =	ssettag $0x1  }
0x1: {  	s3 =	rddreg [dreg:$0x0];
	s2 =	srdreg.scid  }
0x2: {  	s0 =	rddreg [dreg:$0x1];
	s1 =	stileid.u32  }
0x3: {  	s8 =	simm.s32 $0x1;
	s9 =	simm.s32 $0x2000;
	s10 =	simm.s32 $0x0  }
0x4: {  	s4 =	sand.u32 $0x1, s2;
	s2 =	simm.s32 $0x0;
	s5 =	sshll.u32 s1, $0xA  }
0x5: {  	s6 =	sshll.u32 s4, $0x9;
	[smem:$0x7FF] =	sst s2;
	s4 =	ssub.s32 $0x2, s4  }
0x6: {  	s5 =	sor.u32 s6, s5;
	_ =	strace $0x80000047;
	s31 =	sshrl.u32 s4, $0x1  }
0x7: {  	s6 =	sshrl.u32 s5, $0x3;
	s5 =	sadd.s32 s5, s3;
	s7 =	ssub.s32 s4, s31  }
0x8: {  	s6 =	sadd.s32 s6, s3;
	s3 =	sadd.s32 $0x1000, s5;
	s5 =	smax.u32 s7, $0x1  }
0x9: {  	v0 =	vimm.f32 $0.0e+00;
	s7 =	simm.s32 $0x20000;
	s4 =	sadd.s32 $0x9000, s6;
	s6 =	simm.s32 $0x1000  }
.LBB2_1:
0xa: {  	[tilespmem:s2], [sflag:$0x1] =	stream.strided.gather [hbm4b:s3+s6], $0x2000, s7, s6, $0x38;
	[tilespmem:$0x2200] =	vst v63  }
0xb: {  	_ =	swait.ge [sflag:s8], $0x2000  }
0xc: {  	s11 =	sand.u32 $0x70, s2;
	s12 =	sand.u32 $0xC00, s2;
	[sflag:s8] =	ssyncset.done $0x0  }
0xd: {  	s11 =	sor.u32 s11, s12;
	[sflag:s8] =	ssyncadd.s32 $0xFFFFE000  }
0xe: {  	v8 =	vld [tilespmem:s11+$0x100]  }
0xf: {  	v1 =	vld [tilespmem:s11+$0x0]  }
0x10: {  	v2 =	vld [tilespmem:s11+$0x80]  }
0x11: {  	v9 =	vld [tilespmem:s11+$0x280]  }
0x12: {  	v3 =	vld [tilespmem:s11+$0x180]  }
0x13: {  	v4 =	vld [tilespmem:s11+$0x1000]  }
0x14: {  	v20 =	vld [tilespmem:s11+$0x1080]  }
0x15: {  	v10 =	vld [tilespmem:s11+$0x200]  }
0x16: {  	v11 =	vld [tilespmem:s11+$0x300]  }
0x17: {  	v12 =	vld [tilespmem:s11+$0x380];
	v5 =	vmax.f32 v1, v2  }
0x18: {  	v50 =	vld [tilespmem:s11+$0x1180];
	v4 =	vsub.f32 $0.0e+00, v4;
	v5 =	vmax.f32 v5, v8  }
0x19: {  	v20 =	vsub.f32 $0.0e+00, v20;
	v5 =	vmax.f32 v5, v3  }
0x1a: {  	v6 =	vmul.f32 $1.442695020e+00, v4;
	v5 =	vmax.f32 v5, v10  }
0x1b: {  	v20 =	vmul.f32 $1.442695020e+00, v20;
	v5 =	vmax.f32 v5, v9  }
0x1c: {  	(erf) = vpow2.f32 v6;
	v5 =	vmax.f32 v5, v11  }
0x1d: {  	v52 =	vsub.f32 $0.0e+00, v50;
	(erf) = vpow2.f32 v20;
	v13 =	vmax.f32 v5, v12  }
0x1e: {  	vm0 =	veq.f32 v1, v13;
	vm1 =	veq.f32 v2, v13;
	v14 =	vsub.f32 v1, v13  }
0x1f: {  	v7 =	vsub.f32 v2, v13;
	vm2 =	veq.f32 v10, v13;
	v51 =	vsub.f32 v3, v13  }
0x20: {  	v5 =	vsel vm0, $0x3F800000, v0;
	v4 =	vsel vm1, $0x3F800000, v0;
	vm0 =	veq.f32 v12, v13  }
0x21: {  	v26 =	vld [tilespmem:s11+$0x1100];
	vm1 =	veq.f32 v3, v13;
	v21 =	vsel vm2, $0x3F800000, v0;
	vm2 =	veq.f32 v9, v13  }
0x22: {  	v15 =	vmax.f32 v5, v4;
	v16 =	vsub.f32 $1.000000000e+00, v5;
	v18 =	vmul.f32 $1.442695020e+00, v7  }
0x23: {  	v7 =	vsel vm1, $0x3F800000, v0;
	vm1 =	veq.f32 v11, v13;
	v14 =	vmul.f32 $1.442695020e+00, v14  }
0x24: {  	v17 =	vsub.f32 $1.000000000e+00, v15;
	v19 =	vsel vm1, $0x3F800000, v0;
	vm1 =	veq.f32 v8, v13  }
0x25: {  	v4 =	vmul.f32 v16, v4;
	v16 =	vmul.f32 $3.000000010e+38, v5;
	v22 =	vsel vm1, $0x3F800000, v0  }
0x26: {  	(erf) = vpow2.f32 v14;
	v14 =	vsub.f32 $0.0e+00, v26;
	v26 =	vmul.f32 $1.442695020e+00, v51  }
0x27: {  	v15 =	vmax.f32 v15, v22;
	v16 =	vsub.f32 v1, v16;
	v1 =	vmul.f32 $3.000000010e+38, v4  }
0x28: {  	v17 =	vmul.f32 v17, v22;
	v6 =	vsub.f32 $1.000000000e+00, v15;
	v15 =	vmax.f32 v15, v7;
	v29 =	vpop (erf)  }
0x29: {  	v14 =	vmul.f32 $1.442695020e+00, v14;
	v29 =	vadd.f32 $1.000000000e+00, v29;
	v22 =	vsub.f32 v2, v1  }
0x2a: {  	v1 =	vsub.f32 $1.000000000e+00, v15;
	v2 =	vmax.f32 v15, v21;
	v15 =	vmul.f32 $3.000000010e+38, v17  }
0x2b: {  	v27 =	vsel vm0, $0x3F800000, v0;
	v7 =	vmul.f32 v6, v7;
	(erf) = vrcp.f32 v29  }
0x2c: {  	v23 =	vmax.f32 v16, v22;
	v6 =	vmul.f32 v1, v21;
	v1 =	vsub.f32 $1.000000000e+00, v2  }
0x2d: {  	v21 =	vsel vm2, $0x3F800000, v0;
	v24 =	vmul.f32 $3.000000010e+38, v7;
	(erf) = vpow2.f32 v14  }
0x2e: {  	v15 =	vsub.f32 v8, v15;
	v8 =	vsub.f32 v8, v13;
	(erf) = vpow2.f32 v26  }
0x2f: {  	v2 =	vmax.f32 v2, v21;
	v1 =	vmul.f32 v1, v21;
	v25 =	vmul.f32 $3.000000010e+38, v6  }
0x30: {  	v21 =	vsub.f32 v3, v24;
	v23 =	vmax.f32 v23, v15;
	v28 =	vmax.f32 v2, v19  }
0x31: {  	v2 =	vsub.f32 $1.000000000e+00, v2;
	v8 =	vmul.f32 $1.442695020e+00, v8;
	v24 =	vmul.f32 $1.442695020e+00, v52  }
0x32: {  	v28 =	vsub.f32 $1.000000000e+00, v28;
	v20 =	vsub.f32 v10, v25;
	v49 =	vmul.f32 $3.000000010e+38, v1  }
0x33: {  	v54 =	vld [tilespmem:s11+$0x1200];
	v23 =	vmax.f32 v23, v21;
	v3 =	vmul.f32 v2, v19;
	(erf) = vpow2.f32 v8  }
0x34: {  	v10 =	vsub.f32 v10, v13;
	v2 =	vmul.f32 v28, v27;
	(erf) = vpow2.f32 v24  }
0x35: {  	v55 =	vpop (erf);
	v19 =	vsub.f32 v9, v49;
	v56 =	vmul.f32 $3.000000010e+38, v3;
	v9 =	vsub.f32 v9, v13  }
0x36: {  	v8 =	vadd.f32 $1.000000000e+00, v55;
	v10 =	vmul.f32 $1.442695020e+00, v10;
	(erf) = vpow2.f32 v18  }
0x37: {  	v23 =	vmax.f32 v23, v20;
	v53 =	vmul.f32 $3.000000010e+38, v2;
	v9 =	vmul.f32 $1.442695020e+00, v9  }
0x38: {  	v18 =	vsub.f32 $0.0e+00, v54;
	v23 =	vmax.f32 v23, v19;
	v57 =	vsub.f32 v11, v56  }
0x39: {  	v11 =	vsub.f32 v11, v13;
	(erf) = vpow2.f32 v10;
	v14 =	vsub.f32 v12, v53  }
0x3a: {  	v18 =	vmul.f32 $1.442695020e+00, v18;
	v12 =	vsub.f32 v12, v13;
	v23 =	vmax.f32 v23, v57  }
0x3b: {  	(erf) = vpow2.f32 v9;
	v11 =	vmul.f32 $1.442695020e+00, v11;
	v13 =	vmax.f32 v23, v14;
	v9 =	vpop (erf)  }
0x3c: {  	v10 =	vld [tilespmem:s11+$0x1280];
	v12 =	vmul.f32 $1.442695020e+00, v12;
	(erf) = vrcp.f32 v8;
	vm0 =	veq.f32 v22, v13;
	v8 =	vpop (erf)  }
0x3d: {  	vm2 =	veq.f32 v21, v13;
	v21 =	vsel vm0, $0x3F800000, v0;
	vm0 =	veq.f32 v15, v13;
	v15 =	vpop (erf)  }
0x3e: {  	vm1 =	veq.f32 v57, v13;
	(erf) = vpow2.f32 v12;
	v12 =	vld [tilespmem:s11+$0x1300];
	v15 =	vadd.f32 $1.000000000e+00, v15  }
0x3f: {  	vm3 =	veq.f32 v19, v13;
	v22 =	vsel vm0, $0x3F800000, v0;
	vm0 =	veq.f32 v16, v13  }
0x40: {  	v19 =	vsel vm2, $0x3F800000, v0;
	vm2 =	veq.f32 v20, v13;
	v23 =	vsel vm0, $0x3F800000, v0  }
0x41: {  	v16 =	vsub.f32 $0.0e+00, v10;
	vm0 =	veq.f32 v14, v13;
	v58 =	vpop (erf);
	v14 =	vmax.f32 v23, v21  }
0x42: {  	v20 =	vsub.f32 $1.000000000e+00, v23;
	(erf) = vrcp.f32 v15;
	v13 =	vsub.f32 $1.000000000e+00, v14;
	v15 =	vpop (erf)  }
0x43: {  	v5 =	vadd.f32 v23, v5;
	(erf) = vpow2.f32 v11;
	v12 =	vsub.f32 $0.0e+00, v12;
	v11 =	vpop (erf)  }
0x44: {  	v16 =	vmul.f32 $1.442695020e+00, v16;
	(erf) = vpow2.f32 v18;
	v11 =	vadd.f32 $1.000000000e+00, v11  }
0x45: {  	v14 =	vmax.f32 v14, v22;
	v5 =	vmul.f32 v5, v9;
	v20 =	vmul.f32 v20, v21  }
0x46: {  	v23 =	vld [tilespmem:s11+$0x1380];
	v21 =	vsub.f32 $1.000000000e+00, v14;
	v59 =	vmul.f32 v13, v22;
	v13 =	vpop (erf);
	(erf) = vrcp.f32 v11  }
0x47: {  	v14 =	vmax.f32 v14, v19;
	v22 =	vmul.f32 $1.442695020e+00, v12;
	v12 =	vpop (erf);
	(erf) = vpow2.f32 v16  }
0x48: {  	v10 =	vsel vm3, $0x3F800000, v0;
	v18 =	vsel vm2, $0x3F800000, v0;
	v61 =	vsub.f32 $1.000000000e+00, v14;
	v9 =	vpop (erf)  }
0x49: {  	v60 =	vmul.f32 v5, v8;
	v21 =	vmul.f32 v21, v19;
	v17 =	vadd.f32 v59, v17;
	v11 =	vpop (erf)  }
0x4a: {  	v19 =	vmax.f32 v14, v18;
	v16 =	vadd.f32 $0.0e+00, v5;
	v5 =	vpop (erf);
	(erf) = vpow2.f32 v22  }
0x4b: {  	v23 =	vsub.f32 $0.0e+00, v23;
	v26 =	vmul.f32 v61, v18;
	v8 =	vmul.f32 v17, v15;
	v15 =	vpop (erf)  }
0x4c: {  	v18 =	vmax.f32 v19, v10;
	v62 =	vadd.f32 v21, v7;
	v7 =	vadd.f32 $0.0e+00, v60;
	v14 =	vpop (erf)  }
0x4d: {  	s13 =	simm.s32 $0x0;
	v17 =	vsel vm1, $0x3F800000, v0;
	v21 =	vmul.f32 $1.442695020e+00, v23;
	v22 =	vadd.f32 v20, v4;
	v63 =	vpop (erf)  }
0x4e: {  	s14 =	simm.s32 $0x2000;
	s12 =	simm.s32 $0x10;
	s11 =	simm.s32 $0x2000;
	v4 =	vmul.f32 v62, v58;
	v20 =	vadd.f32 v26, v6;
	v6 =	vadd.f32 $1.000000000e+00, v63  }
.LBB2_2:
0x4f: {  	p0 =	sne.s32 s12, $0x1F0;
	v23 =	vsel vm0, $0x3F800000, v0;
	v13 =	vmul.f32 v22, v13;
	s13 =	sadd.s32 $0x80, s13;
	s14 =	sadd.s32 $0x10, s14;
	v22 =	vpop (erf);
	(erf) = vpow2.f32 v21  }
0x50: {  	v19 =	vsub.f32 $1.000000000e+00, v19;
	v21 =	vmax.f32 v18, v17;
	s15 =	smov.u32 s12;
	s12 =	sadd.s32 $0x10, s12;
	v12 =	vmul.f32 v20, v12;
	v20 =	vpop (erf)  }
0x51: {  	v18 =	vsub.f32 $1.000000000e+00, v18;
	v22 =	vmul.f32 v4, v22;
	v24 =	vadd.f32 v13, v16  }
0x52: {  	v10 =	vmul.f32 v19, v10;
	(erf) = vrcp.f32 v6  }
0x53: {  	v11 =	vmul.f32 v13, v11;
	v6 =	vmul.f32 v18, v17;
	v13 =	vadd.f32 v8, v24;
	v16 =	vpop (erf)  }
0x54: {  	v17 =	vsub.f32 $1.000000000e+00, v21;
	v8 =	vmul.f32 v8, v15;
	v15 =	vadd.f32 $1.000000000e+00, v20  }
0x55: {  	v7 =	vadd.f32 v11, v7;
	v1 =	vadd.f32 v10, v1  }
0x56: {  	v10 =	vmul.f32 v17, v23;
	v3 =	vadd.f32 v6, v3;
	(erf) = vrcp.f32 v15  }
0x57: {  	v6 =	vadd.f32 $1.000000000e+00, v16;
	v4 =	vadd.f32 v4, v13;
	v1 =	vmul.f32 v1, v9  }
0x58: {  	v7 =	vadd.f32 v8, v7;
	v3 =	vmul.f32 v3, v14;
	v2 =	vadd.f32 v10, v2;
	v8 =	vpop (erf)  }
0x59: {  	v4 =	vadd.f32 v12, v4;
	v8 =	vadd.f32 $1.000000000e+00, v8;
	(erf) = vrcp.f32 v6  }
0x5a: {  	v2 =	vmul.f32 v2, v5;
	v6 =	vadd.f32 v22, v7  }
0x5b: {  	v4 =	vadd.f32 v1, v4;
	v5 =	vpop (erf);
	(erf) = vrcp.f32 v8  }
0x5c: {  	v5 =	vmul.f32 v12, v5  }
0x5d: {  	v4 =	vadd.f32 v3, v4;
	_ =	sdelay $0x1  }
0x5e: {  	v8 =	vadd.f32 v2, v4;
	v7 =	vpop (erf)  }
0x5f: {  	v1 =	vmul.f32 v1, v7  }
0x60: {  	v5 =	vadd.f32 v5, v6;
	(erf) = vrcp.f32 v8  }
0x61: {  	v4 =	vpop (erf)  }
0x62: {  	v1 =	vadd.f32 v1, v5;
	v3 =	vmul.f32 v3, v4  }
0x63: {  	v4 =	vpop (erf)  }
0x64: {  	v1 =	vadd.f32 v3, v1;
	v2 =	vmul.f32 v2, v4;
	_ =	sdelay $0x1  }
0x65: {  	v1 =	vadd.f32 v2, v1;
	_ =	sdelay $0x2  }
0x66: {  	v2 =	vpop (erf)  }
0x67: {  	v1 =	vmul.f32 v2, v1;
	_ =	sdelay $0x1  }
0x68: {  	[tilespmem:s11+$0x0] =	vst v1;
	s11 =	smov.u32 s14;
	_ =	sdelay $0x1  }
0x69: {  	s15 =	sand.u32 $0x70, s15;
	s16 =	sand.u32 $0xC00, s13  }
0x6a: {  	s15 =	sor.u32 s15, s16  }
0x6b: {  	v13 =	vld [tilespmem:s15+$0x100]  }
0x6c: {  	v1 =	vld [tilespmem:s15+$0x0]  }
0x6d: {  	v2 =	vld [tilespmem:s15+$0x80]  }
0x6e: {  	v11 =	vld [tilespmem:s15+$0x280]  }
0x6f: {  	v3 =	vld [tilespmem:s15+$0x180]  }
0x70: {  	v14 =	vld [tilespmem:s15+$0x200]  }
0x71: {  	v4 =	vld [tilespmem:s15+$0x1000]  }
0x72: {  	v10 =	vld [tilespmem:s15+$0x300];
	v5 =	vmax.f32 v1, v2  }
0x73: {  	v9 =	vld [tilespmem:s15+$0x380];
	v5 =	vmax.f32 v5, v13  }
0x74: {  	v5 =	vmax.f32 v5, v3  }
0x75: {  	v5 =	vmax.f32 v5, v14  }
0x76: {  	v5 =	vmax.f32 v5, v11;
	v4 =	vsub.f32 $0.0e+00, v4  }
0x77: {  	v5 =	vmax.f32 v5, v10  }
0x78: {  	v12 =	vmax.f32 v5, v9;
	v6 =	vmul.f32 $1.442695020e+00, v4  }
0x79: {  	vm0 =	veq.f32 v1, v12;
	vm1 =	veq.f32 v2, v12;
	v15 =	vsub.f32 v1, v12  }
0x7a: {  	v7 =	vsub.f32 v2, v12;
	v5 =	vsel vm0, $0x3F800000, v0;
	v4 =	vsel vm1, $0x3F800000, v0  }
0x7b: {  	vm0 =	veq.f32 v9, v12;
	v8 =	vsub.f32 $1.000000000e+00, v5;
	v16 =	vmax.f32 v5, v4  }
0x7c: {  	vm1 =	veq.f32 v3, v12;
	v18 =	vmul.f32 $1.442695020e+00, v7;
	v17 =	vsub.f32 $1.000000000e+00, v16  }
0x7d: {  	v7 =	vsel vm1, $0x3F800000, v0;
	vm1 =	veq.f32 v10, v12;
	v4 =	vmul.f32 v8, v4  }
0x7e: {  	vm2 =	veq.f32 v14, v12;
	v19 =	vsel vm1, $0x3F800000, v0;
	v8 =	vmul.f32 $3.000000010e+38, v5  }
0x7f: {  	v21 =	vsel vm2, $0x3F800000, v0;
	vm2 =	veq.f32 v11, v12;
	vm1 =	veq.f32 v13, v12;
	v20 =	vld [tilespmem:s15+$0x1080]  }
0x80: {  	v22 =	vsel vm1, $0x3F800000, v0;
	v23 =	vsub.f32 v1, v8;
	v1 =	vmul.f32 $3.000000010e+38, v4  }
0x81: {  	v16 =	vmax.f32 v16, v22;
	v8 =	vmul.f32 v17, v22;
	(erf) = vpow2.f32 v6  }
0x82: {  	v6 =	vsub.f32 $1.000000000e+00, v16;
	v16 =	vmax.f32 v16, v7;
	v17 =	vsub.f32 v2, v1  }
0x83: {  	v1 =	vsub.f32 $1.000000000e+00, v16;
	v2 =	vmax.f32 v16, v21;
	v16 =	vmul.f32 $3.000000010e+38, v8  }
0x84: {  	v7 =	vmul.f32 v6, v7;
	v22 =	vmax.f32 v23, v17;
	v20 =	vsub.f32 $0.0e+00, v20  }
0x85: {  	v6 =	vmul.f32 v1, v21;
	v1 =	vsub.f32 $1.000000000e+00, v2;
	v16 =	vsub.f32 v13, v16  }
0x86: {  	v24 =	vsel vm2, $0x3F800000, v0;
	v25 =	vmul.f32 $3.000000010e+38, v7;
	v21 =	vld [tilespmem:s15+$0x1100];
	v20 =	vmul.f32 $1.442695020e+00, v20  }
0x87: {  	v26 =	vsel vm0, $0x3F800000, v0;
	v1 =	vmul.f32 v1, v24;
	v27 =	vmul.f32 $3.000000010e+38, v6  }
0x88: {  	v2 =	vmax.f32 v2, v24;
	v24 =	vsub.f32 v3, v25;
	(erf) = vpow2.f32 v20  }
0x89: {  	v22 =	vmax.f32 v22, v16;
	v20 =	vsub.f32 v14, v27;
	v25 =	vmul.f32 $3.000000010e+38, v1  }
0x8a: {  	v15 =	vmul.f32 $1.442695020e+00, v15;
	v28 =	vmax.f32 v2, v19;
	v22 =	vmax.f32 v22, v24;
	v27 =	vld [tilespmem:s15+$0x1180];
	v29 =	vpop (erf)  }
0x8b: {  	v2 =	vsub.f32 $1.000000000e+00, v2;
	v29 =	vadd.f32 $1.000000000e+00, v29  }
0x8c: {  	v28 =	vsub.f32 $1.000000000e+00, v28;
	v22 =	vmax.f32 v22, v20;
	(erf) = vpow2.f32 v15  }
0x8d: {  	v15 =	vsub.f32 $0.0e+00, v21;
	v21 =	vsub.f32 v3, v12;
	(erf) = vrcp.f32 v29  }
0x8e: {  	v13 =	vsub.f32 v13, v12;
	v3 =	vmul.f32 v2, v19;
	v2 =	vmul.f32 v28, v26  }
0x8f: {  	v19 =	vsub.f32 v11, v25;
	v15 =	vmul.f32 $1.442695020e+00, v15;
	v25 =	vsub.f32 $0.0e+00, v27  }
0x90: {  	v14 =	vsub.f32 v14, v12;
	v26 =	vmul.f32 $3.000000010e+38, v2;
	v21 =	vmul.f32 $1.442695020e+00, v21  }
0x91: {  	v13 =	vmul.f32 $1.442695020e+00, v13;
	v22 =	vmax.f32 v22, v19;
	v27 =	vld [tilespmem:s15+$0x1200];
	v28 =	vpop (erf);
	(erf) = vpow2.f32 v15  }
0x92: {  	v15 =	vsub.f32 v9, v26;
	v25 =	vmul.f32 $1.442695020e+00, v25;
	(erf) = vpow2.f32 v21  }
0x93: {  	v11 =	vsub.f32 v11, v12;
	v21 =	vmul.f32 $3.000000010e+38, v3;
	(erf) = vpow2.f32 v13  }
0x94: {  	v14 =	vmul.f32 $1.442695020e+00, v14;
	v13 =	vadd.f32 $1.000000000e+00, v28;
	(erf) = vpow2.f32 v25  }
0x95: {  	v11 =	vmul.f32 $1.442695020e+00, v11;
	v21 =	vsub.f32 v10, v21;
	v25 =	vld [tilespmem:s15+$0x1280];
	v26 =	vpop (erf);
	(erf) = vpow2.f32 v18  }
0x96: {  	v10 =	vsub.f32 v10, v12;
	v18 =	vsub.f32 $0.0e+00, v27;
	v27 =	vpop (erf);
	(erf) = vpow2.f32 v14  }
0x97: {  	v9 =	vsub.f32 v9, v12;
	v14 =	vmax.f32 v22, v21;
	(erf) = vpow2.f32 v11  }
0x98: {  	v11 =	vmax.f32 v14, v15;
	v14 =	vmul.f32 $1.442695020e+00, v18;
	(erf) = vrcp.f32 v13  }
0x99: {  	v9 =	vmul.f32 $1.442695020e+00, v9;
	vm0 =	veq.f32 v17, v11;
	vm2 =	veq.f32 v24, v11  }
0x9a: {  	v10 =	vmul.f32 $1.442695020e+00, v10;
	v17 =	vsel vm0, $0x3F800000, v0;
	vm0 =	veq.f32 v16, v11;
	v12 =	vpop (erf)  }
0x9b: {  	v16 =	vsel vm0, $0x3F800000, v0;
	v12 =	vadd.f32 $1.000000000e+00, v12;
	v24 =	vpop (erf);
	(erf) = vpow2.f32 v9  }
0x9c: {  	vm1 =	veq.f32 v21, v11;
	vm0 =	veq.f32 v23, v11;
	v9 =	vsub.f32 $0.0e+00, v25;
	v18 =	vld [tilespmem:s15+$0x1300];
	v21 =	vpop (erf)  }
0x9d: {  	v22 =	vsel vm0, $0x3F800000, v0;
	vm0 =	veq.f32 v15, v11;
	(erf) = vrcp.f32 v12;
	v15 =	vpop (erf)  }
0x9e: {  	vm3 =	veq.f32 v19, v11;
	v19 =	vmax.f32 v22, v17;
	v13 =	vpop (erf);
	(erf) = vpow2.f32 v10  }
0x9f: {  	v23 =	vsel vm2, $0x3F800000, v0;
	vm2 =	veq.f32 v20, v11;
	v12 =	vpop (erf);
	(erf) = vpow2.f32 v14  }
0xa0: {  	v20 =	vmul.f32 $1.442695020e+00, v9;
	v10 =	vsel vm3, $0x3F800000, v0;
	v14 =	vsub.f32 $1.000000000e+00, v19;
	v9 =	vpop (erf)  }
0xa1: {  	v25 =	vsel vm2, $0x3F800000, v0;
	v15 =	vadd.f32 $1.000000000e+00, v15;
	v18 =	vsub.f32 $0.0e+00, v18;
	v11 =	vpop (erf)  }
0xa2: {  	v29 =	vsub.f32 $1.000000000e+00, v22;
	v22 =	vadd.f32 v22, v5;
	v14 =	vmul.f32 v14, v16;
	v28 =	vld [tilespmem:s15+$0x1380]  }
0xa3: {  	v16 =	vmax.f32 v19, v16;
	v18 =	vmul.f32 $1.442695020e+00, v18;
	(erf) = vrcp.f32 v15  }
0xa4: {  	v26 =	vmul.f32 v22, v26;
	v8 =	vadd.f32 v14, v8;
	(erf) = vpow2.f32 v20;
	v5 =	vpop (erf)  }
0xa5: {  	v19 =	vmax.f32 v16, v23;
	v20 =	vmul.f32 v29, v17;
	v17 =	vsub.f32 $1.000000000e+00, v16  }
0xa6: {  	v22 =	vmul.f32 v26, v27;
	v16 =	vadd.f32 $0.0e+00, v26;
	v8 =	vmul.f32 v8, v21;
	v15 =	vpop (erf)  }
.Ltmp0:
0xa7: {  	v21 =	vmul.f32 v17, v23;
	v23 =	vsub.f32 $1.000000000e+00, v19;
	v14 =	vpop (erf);
	(erf) = vpow2.f32 v18;
	(pc) =	sbr.rel @p0 .LBB2_2-.Ltmp0, $4  }
0xa8: {  	v17 =	vsel vm1, $0x3F800000, v0;
	v19 =	vmax.f32 v19, v25;
	v26 =	vsub.f32 $0.0e+00, v28;
	v27 =	vpop (erf)  }
0xa9: {  	v18 =	vmax.f32 v19, v10;
	v23 =	vmul.f32 v23, v25;
	v25 =	vadd.f32 v21, v7  }
0xaa: {  	v7 =	vadd.f32 $0.0e+00, v22;
	v22 =	vadd.f32 v20, v4;
	v21 =	vmul.f32 $1.442695020e+00, v26  }
0xab: {  	v4 =	vmul.f32 v25, v24;
	v20 =	vadd.f32 v23, v6;
	v6 =	vadd.f32 $1.000000000e+00, v27  }
0xac: {  	(erf) = vpow2.f32 v21  }
0xad: {  	v13 =	vmul.f32 v22, v13;
	_ =	sdelay $0x1  }
0xae: {  	v19 =	vsub.f32 $1.000000000e+00, v19;
	v16 =	vadd.f32 v13, v16  }
0xaf: {  	v42 =	vsel vm0, $0x3F800000, v0;
	v43 =	vpop (erf);
	v23 =	vmax.f32 v18, v17;
	v44 =	vsub.f32 $1.000000000e+00, v18  }
0xb0: {  	v12 =	vmul.f32 v20, v12;
	v45 =	vpop (erf);
	v10 =	vmul.f32 v19, v10;
	v16 =	vadd.f32 v8, v16  }
0xb1: {  	v47 =	vsub.f32 $1.000000000e+00, v23;
	v46 =	vmul.f32 v44, v17;
	v48 =	vadd.f32 $1.000000000e+00, v45  }
0xb2: {  	(erf) = vrcp.f32 v6;
	v1 =	vadd.f32 v10, v1;
	v49 =	vadd.f32 v4, v16  }
0xb3: {  	v51 =	vmul.f32 v47, v42;
	v50 =	vpop (erf);
	v3 =	vadd.f32 v46, v3;
	(erf) = vrcp.f32 v48  }
0xb4: {  	v52 =	vadd.f32 $1.000000000e+00, v50;
	v1 =	vmul.f32 v1, v9;
	v6 =	vadd.f32 v12, v49;
	v54 =	vpop (erf)  }
0xb5: {  	v53 =	vmul.f32 v13, v11;
	v2 =	vadd.f32 v51, v2;
	v11 =	vadd.f32 $1.000000000e+00, v54  }
0xb6: {  	v3 =	vmul.f32 v3, v14;
	(erf) = vrcp.f32 v52;
	v6 =	vadd.f32 v1, v6  }
0xb7: {  	v55 =	vmul.f32 v8, v15;
	(erf) = vrcp.f32 v11  }
0xb8: {  	v7 =	vadd.f32 v53, v7;
	v2 =	vmul.f32 v2, v5;
	v56 =	vadd.f32 v3, v6;
	_ =	sdelay $0x1  }
0xb9: {  	v57 =	vmul.f32 v4, v43;
	v58 =	vadd.f32 v55, v7;
	v5 =	vadd.f32 v2, v56  }
0xba: {  	v59 =	vpop (erf)  }
0xbb: {  	v4 =	vadd.f32 v57, v58;
	v60 =	vmul.f32 v12, v59;
	(erf) = vrcp.f32 v5  }
0xbc: {  	v61 =	vpop (erf)  }
0xbd: {  	v4 =	vadd.f32 v60, v4;
	v1 =	vmul.f32 v1, v61  }
0xbe: {  	v62 =	vpop (erf)  }
0xbf: {  	v1 =	vadd.f32 v1, v4;
	v3 =	vmul.f32 v3, v62;
	v63 =	vpop (erf)  }
0xc0: {  	v2 =	vmul.f32 v2, v63  }
0xc1: {  	v1 =	vadd.f32 v3, v1;
	_ =	sdelay $0x1  }
0xc2: {  	v1 =	vadd.f32 v2, v1  }
0xc3: {  	v2 =	vpop (erf)  }
0xc4: {  	s10 =	sadd.s32 $0x1, s10;
	v1 =	vmul.f32 v2, v1  }
0xc5: {  	p0 =	sne.s32 s10, s5  }
.Ltmp1:
0xc6: {  	[tilespmem:s11+$0x0] =	vst v1;
	(pc) =	sbr.rel @p0 .LBB2_1-.Ltmp1, $4  }
0xc7: {  	[hbm4b:s4+s2] =	stream.linear.scatter [tilespmem:s9], [sflag:$0x1], $0x200, $0x38;
	[tilespmem:$0x2200] =	vst v63  }
0xc8: {  	_ =	swait.ge [sflag:s8], $0x200  }
0xc9: {  	[sflag:s8] =	ssyncset.done $0x0  }
0xca: {  	[sflag:s8] =	ssyncadd.s32 $0xFFFFFE00  }
0xcb: {  	_ =	sfence.sel $0x180000  }
0xcc: {  	[bflag:$0x0] =	sbarrier.arrive $0xFFFF  }
0xcd: {  	p0 =	sne.s32 s1, $0x0;
	_ =	strace $0x90000047  }
0xce: {  	s0 =	sadd.s32 @!p0 $0x100000, s0;
	[bflag:$0x2] =	sbarrier.arrive $0xFFFF  }
0xcf: {  	[sflag:s0] =	ssyncadd.tile.s32 @!p0 $0x1;
	_ =	shalt  }
.Lfunc_end2:
_tile_overlayer_lowered:
.L_overlay_start_2:
0xd0: {  	(tag) =	ssettag $0x2  }
0xd1: {  	s0 =	rddreg [dreg:$0x0];
	s2 =	stileid.u32  }
0xd2: {  	s1 =	rddreg [dreg:$0x1];
	p0 =	sne.s32 s2, $0x0  }
0xd3: {  	s3 =	rddreg [dreg:$0x2];
	[bflag:$0x3] =	sbarrier.arrive $0xFFFF;
	s2 =	simm.s32 @!p0 $0x1C01  }
0xd4: {  	[timem:s3], [sflag:s2] =	dma.local @!p0 [hbm:s0], s1  }
0xd5: {  	s0 =	simm.s32 @!p0 $0x1  }
0xd6: {  	_ =	swait.ge @!p0 [sflag:s0], s1  }
0xd7: {  	s1 =	ssub.s32 @!p0 $0x0, s1;
	[sflag:s0] =	ssyncset.done @!p0 $0x0  }
0xd8: {  	[sflag:s0] =	ssyncadd.s32 @!p0 s1  }
0xd9: {  	[bflag:$0x3] =	sbarrier.arrive $0xFFFF  }
0xda: {  	_ =	shalt  }

</sc_bundles>
